<compile_context>
chip_gen: v7x
topology: tpu7x:2x2x1
jax: 0.10.2.dev20260603
libtpu: 0.0.44.dev20260713+nightly
codegen_flags: <defaults>
</compile_context>

<pallas_src>
import functools

import jax
import jax.numpy as jnp
from jax import lax
from jax.experimental import pallas as pl
from jax.experimental.pallas import tpu as pltpu
from jax.experimental.pallas import tpu_sc as plsc

_B = 16384
_D = 128
_NC = 2
_NS = 16
_NW = _NC * _NS
_BPW = _B // _NW
_CH = 64
_NCH = _BPW // _CH
_NBUF = 6
_LANES = 16


@functools.partial(
    pl.kernel,
    mesh=plsc.VectorSubcoreMesh(core_axis_name="c", subcore_axis_name="s"),
    out_type=(
        jax.ShapeDtypeStruct((_B, _D), jnp.float32),
        jax.ShapeDtypeStruct((_B, _D), jnp.float32),
    ),
    scratch_types=(
        [pltpu.VMEM((_BPW,), jnp.int32)]
        + [pltpu.VMEM((_CH, _D), jnp.float32) for _ in range(2 * _NBUF)]
        + [pltpu.SemaphoreType.DMA]
        + [pltpu.SemaphoreType.DMA for _ in range(4 * _NBUF)]
    ),
)
def _decoder(idx_hbm, x_hbm, lat_hbm, out_hbm, plat_hbm, *bufs):
    idx_all = bufs[0]
    rows = bufs[1:1 + _NBUF]
    xv = bufs[1 + _NBUF:1 + 2 * _NBUF]
    isem = bufs[1 + 2 * _NBUF]
    sems = bufs[2 + 2 * _NBUF:]
    gsem = sems[0:_NBUF]
    xsem = sems[_NBUF:2 * _NBUF]
    psem = sems[2 * _NBUF:3 * _NBUF]
    osem = sems[3 * _NBUF:4 * _NBUF]

    wid = lax.axis_index("s") * _NC + lax.axis_index("c")
    base = wid * _BPW

    pltpu.async_copy(idx_hbm.at[pl.ds(base, _BPW)], idx_all, isem).wait()

    gh = [None] * _NBUF
    xh = [None] * _NBUF
    ph = [None] * _NBUF
    oh = [None] * _NBUF
    for c in range(_NBUF):
        cbase = base + c * _CH
        gh[c] = pltpu.async_copy(
            lat_hbm.at[idx_all.at[pl.ds(c * _CH, _CH)]], rows[c], gsem[c])
        xh[c] = pltpu.async_copy(x_hbm.at[pl.ds(cbase, _CH)], xv[c], xsem[c])

    for c in range(_NCH):
        s = c % _NBUF
        cbase = base + c * _CH
        gh[s].wait()
        ph[s] = pltpu.async_copy(rows[s], plat_hbm.at[pl.ds(cbase, _CH)], psem[s])
        xh[s].wait()

        x_b = xv[s]
        r_b = rows[s]

        def mul_row(i, _):
            for j in range(_D // _LANES):
                sl = pl.ds(j * _LANES, _LANES)
                x_b[i, sl] = x_b[i, sl] * r_b[i, sl]
            return 0

        lax.fori_loop(0, _CH, mul_row, 0)
        oh[s] = pltpu.async_copy(xv[s], out_hbm.at[pl.ds(cbase, _CH)], osem[s])

        nc = c + _NBUF
        if nc < _NCH:
            nbase = base + nc * _CH
            ph[s].wait()
            gh[s] = pltpu.async_copy(
                lat_hbm.at[idx_all.at[pl.ds(nc * _CH, _CH)]], rows[s], gsem[s])
            oh[s].wait()
            xh[s] = pltpu.async_copy(x_hbm.at[pl.ds(nbase, _CH)], xv[s], xsem[s])

    for s in range(min(_NBUF, _NCH)):
        ph[s].wait()
        oh[s].wait()


def kernel(idx, x, latents):
    out, plat = _decoder(idx.astype(jnp.int32), x, latents)
    return (out, plat)

# --- scband reference (transcript-rebuilt; emitter-appended) ---
"""Pipeline reference for scband-auto-decoder-wrapper-28346784153634 (READ-ONLY COPY).

The authoritative reference and input builder live on the scoring server;
editing this copy changes nothing except your own understanding.
"""

import jax, jax.numpy as jnp
import numpy as np

NUM_LATENTS = 100000
EMBED_DIM = 128
BATCH = 16384


def setup_inputs(seed: int = 0) -> dict:
    key = jax.random.key(seed)
    k1, k2, k3 = jax.random.split(key, 3)
    # forward inputs (packed into the `inputs` dict in the torch module)
    idx = jax.random.randint(k1, (BATCH,), 0, NUM_LATENTS, dtype=jnp.int64 if jax.config.jax_enable_x64 else jnp.int32)
    x = jax.random.normal(k2, (BATCH, EMBED_DIM), dtype=jnp.float32)
    # learned parameter: self.latents.weight, initialized N(0, in_wgt=1e-4)
    latents = jax.random.normal(k3, (NUM_LATENTS, EMBED_DIM), dtype=jnp.float32) * 1e-4
    return {"idx": idx, "x": x, "latents": latents}


def reference(idx, x, latents):
    # param_latent = self.latents(latent_idcs)
    batch_size = idx.shape[0]
    param_latent = jnp.take(latents, idx, axis=0)
    # reshape to [batch, *trgt_param_shape]  (trgt_param_shape = (EMBED_DIM,))
    param_latent = jnp.reshape(param_latent, (batch_size, EMBED_DIM))
    # functional_call(self.submodule, {"scale": param_latent}, inputs)
    # submodule FiLMScale.forward(inputs) = inputs['x'] * scale
    output = x * param_latent
    return (output, param_latent)

if __name__ == "__main__":
    import jax
    _d = setup_inputs()
    print(jax.jit(kernel)(*tuple(_d.values())))

</pallas_src>

<mosaic_0001>
#map = affine_map<(d0, d1) -> (0)>
#map1 = affine_map<(d0, d1) -> (0, 0)>
module attributes {stable_mosaic.version = 14 : i64} {
  func.func @_decoder(%arg0: i32, %arg1: i32, %arg2: memref<16384xi32, #tpu.memory_space<hbm>>, %arg3: memref<16384x128xf32, #tpu.memory_space<hbm>>, %arg4: memref<100000x128xf32, #tpu.memory_space<hbm>>, %arg5: memref<16384x128xf32, #tpu.memory_space<hbm>>, %arg6: memref<16384x128xf32, #tpu.memory_space<hbm>>, %arg7: memref<512xi32, #tpu.memory_space<vmem>>, %arg8: memref<64x128xf32, #tpu.memory_space<vmem>>, %arg9: memref<64x128xf32, #tpu.memory_space<vmem>>, %arg10: memref<64x128xf32, #tpu.memory_space<vmem>>, %arg11: memref<64x128xf32, #tpu.memory_space<vmem>>, %arg12: memref<64x128xf32, #tpu.memory_space<vmem>>, %arg13: memref<64x128xf32, #tpu.memory_space<vmem>>, %arg14: memref<64x128xf32, #tpu.memory_space<vmem>>, %arg15: memref<64x128xf32, #tpu.memory_space<vmem>>, %arg16: memref<64x128xf32, #tpu.memory_space<vmem>>, %arg17: memref<64x128xf32, #tpu.memory_space<vmem>>, %arg18: memref<64x128xf32, #tpu.memory_space<vmem>>, %arg19: memref<64x128xf32, #tpu.memory_space<vmem>>, %arg20: memref<!tpu.dma_semaphore, #tpu.memory_space<semaphore_mem>>, %arg21: memref<!tpu.dma_semaphore, #tpu.memory_space<semaphore_mem>>, %arg22: memref<!tpu.dma_semaphore, #tpu.memory_space<semaphore_mem>>, %arg23: memref<!tpu.dma_semaphore, #tpu.memory_space<semaphore_mem>>, %arg24: memref<!tpu.dma_semaphore, #tpu.memory_space<semaphore_mem>>, %arg25: memref<!tpu.dma_semaphore, #tpu.memory_space<semaphore_mem>>, %arg26: memref<!tpu.dma_semaphore, #tpu.memory_space<semaphore_mem>>, %arg27: memref<!tpu.dma_semaphore, #tpu.memory_space<semaphore_mem>>, %arg28: memref<!tpu.dma_semaphore, #tpu.memory_space<semaphore_mem>>, %arg29: memref<!tpu.dma_semaphore, #tpu.memory_space<semaphore_mem>>, %arg30: memref<!tpu.dma_semaphore, #tpu.memory_space<semaphore_mem>>, %arg31: memref<!tpu.dma_semaphore, #tpu.memory_space<semaphore_mem>>, %arg32: memref<!tpu.dma_semaphore, #tpu.memory_space<semaphore_mem>>, %arg33: memref<!tpu.dma_semaphore, #tpu.memory_space<semaphore_mem>>, %arg34: memref<!tpu.dma_semaphore, #tpu.memory_space<semaphore_mem>>, %arg35: memref<!tpu.dma_semaphore, #tpu.memory_space<semaphore_mem>>, %arg36: memref<!tpu.dma_semaphore, #tpu.memory_space<semaphore_mem>>, %arg37: memref<!tpu.dma_semaphore, #tpu.memory_space<semaphore_mem>>, %arg38: memref<!tpu.dma_semaphore, #tpu.memory_space<semaphore_mem>>, %arg39: memref<!tpu.dma_semaphore, #tpu.memory_space<semaphore_mem>>, %arg40: memref<!tpu.dma_semaphore, #tpu.memory_space<semaphore_mem>>, %arg41: memref<!tpu.dma_semaphore, #tpu.memory_space<semaphore_mem>>, %arg42: memref<!tpu.dma_semaphore, #tpu.memory_space<semaphore_mem>>, %arg43: memref<!tpu.dma_semaphore, #tpu.memory_space<semaphore_mem>>, %arg44: memref<!tpu.dma_semaphore, #tpu.memory_space<semaphore_mem>>) attributes {dimension_semantics = [#tpu.dimension_semantics<core_parallel>, #tpu.dimension_semantics<subcore_parallel>], iteration_bounds = array<i64: 2, 16>, scalar_prefetch = 0 : i64, scratch_operands = 38 : i64, tpu.core_type = #tpu.core_type<sc_vector_subcore>, window_params = [{transform_indices = #map}, {transform_indices = #map1}, {transform_indices = #map1}, {transform_indices = #map1}, {transform_indices = #map1}]} {
    %mul3A = arith.constant 2 : i32
    %mul3A_0 = arith.muli %arg1, %mul3A : i32
    %add3A = arith.addi %mul3A_0, %arg0 : i32
    %mul3A_1 = arith.constant 512 : i32
    %mul3A_2 = arith.muli %add3A, %mul3A_1 : i32
    %dma_start3A = tpu.memref_slice %arg2[%mul3A_2] : memref<16384xi32, #tpu.memory_space<hbm>> -> memref<512xi32, #tpu.memory_space<hbm>>
    %dma_start3A_3 = tpu.memref_slice %arg2[%mul3A_2] : memref<16384xi32, #tpu.memory_space<hbm>> -> memref<512xi32, #tpu.memory_space<hbm>>
    tpu.enqueue_dma source(%dma_start3A_3 : memref<512xi32, #tpu.memory_space<hbm>>) target(%arg7 : memref<512xi32, #tpu.memory_space<vmem>>) target_semaphore(%arg20 : memref<!tpu.dma_semaphore, #tpu.memory_space<semaphore_mem>>)
    %dma_wait3A = tpu.memref_slice %arg2[%mul3A_2] : memref<16384xi32, #tpu.memory_space<hbm>> -> memref<512xi32, #tpu.memory_space<hbm>>
    %dma_wait3A_4 = tpu.memref_slice %arg2[%mul3A_2] : memref<16384xi32, #tpu.memory_space<hbm>> -> memref<512xi32, #tpu.memory_space<hbm>>
    tpu.wait_dma2 semaphore(%arg20 : memref<!tpu.dma_semaphore, #tpu.memory_space<semaphore_mem>>) src(%dma_wait3A_4 : memref<512xi32, #tpu.memory_space<hbm>>) dst(%arg7 : memref<512xi32, #tpu.memory_space<vmem>>)
    %add3A_5 = arith.constant 0 : i32
    %add3A_6 = arith.addi %mul3A_2, %add3A_5 : i32
    %dma_start3A_7 = arith.constant 0 : i32
    %dma_start3A_8 = tpu.memref_slice %arg7[%dma_start3A_7] : memref<512xi32, #tpu.memory_space<vmem>> -> memref<64xi32, #tpu.memory_space<vmem>>
    %dma_start3A_9 = arith.constant 0 : i32
    %dma_start3A_10 = arith.constant 0 : i32
    %dma_start3A_11 = tpu.memref_slice %arg4[%dma_start3A_9, %dma_start3A_10] : memref<100000x128xf32, #tpu.memory_space<hbm>> -> memref<100000x128xf32, #tpu.memory_space<hbm>>
    tpu.enqueue_indirect_dma source(%dma_start3A_11 : memref<100000x128xf32, #tpu.memory_space<hbm>>) target(%arg8 : memref<64x128xf32, #tpu.memory_space<vmem>>) offsets(%dma_start3A_8 : memref<64xi32, #tpu.memory_space<vmem>>) semaphore(%arg21 : memref<!tpu.dma_semaphore, #tpu.memory_space<semaphore_mem>>)
    %dma_start3A_12 = arith.constant 0 : i32
    %dma_start3A_13 = tpu.memref_slice %arg3[%add3A_6, %dma_start3A_12] : memref<16384x128xf32, #tpu.memory_space<hbm>> -> memref<64x128xf32, #tpu.memory_space<hbm>>
    %dma_start3A_14 = arith.constant 0 : i32
    %dma_start3A_15 = tpu.memref_slice %arg3[%add3A_6, %dma_start3A_14] : memref<16384x128xf32, #tpu.memory_space<hbm>> -> memref<64x128xf32, #tpu.memory_space<hbm>>
    tpu.enqueue_dma source(%dma_start3A_15 : memref<64x128xf32, #tpu.memory_space<hbm>>) target(%arg14 : memref<64x128xf32, #tpu.memory_space<vmem>>) target_semaphore(%arg27 : memref<!tpu.dma_semaphore, #tpu.memory_space<semaphore_mem>>)
    %add3A_16 = arith.constant 64 : i32
    %add3A_17 = arith.addi %mul3A_2, %add3A_16 : i32
    %dma_start3A_18 = arith.constant 64 : i32
    %dma_start3A_19 = tpu.memref_slice %arg7[%dma_start3A_18] : memref<512xi32, #tpu.memory_space<vmem>> -> memref<64xi32, #tpu.memory_space<vmem>>
    %dma_start3A_20 = arith.constant 0 : i32
    %dma_start3A_21 = arith.constant 0 : i32
    %dma_start3A_22 = tpu.memref_slice %arg4[%dma_start3A_20, %dma_start3A_21] : memref<100000x128xf32, #tpu.memory_space<hbm>> -> memref<100000x128xf32, #tpu.memory_space<hbm>>
    tpu.enqueue_indirect_dma source(%dma_start3A_22 : memref<100000x128xf32, #tpu.memory_space<hbm>>) target(%arg9 : memref<64x128xf32, #tpu.memory_space<vmem>>) offsets(%dma_start3A_19 : memref<64xi32, #tpu.memory_space<vmem>>) semaphore(%arg22 : memref<!tpu.dma_semaphore, #tpu.memory_space<semaphore_mem>>)
    %dma_start3A_23 = arith.constant 0 : i32
    %dma_start3A_24 = tpu.memref_slice %arg3[%add3A_17, %dma_start3A_23] : memref<16384x128xf32, #tpu.memory_space<hbm>> -> memref<64x128xf32, #tpu.memory_space<hbm>>
    %dma_start3A_25 = arith.constant 0 : i32
    %dma_start3A_26 = tpu.memref_slice %arg3[%add3A_17, %dma_start3A_25] : memref<16384x128xf32, #tpu.memory_space<hbm>> -> memref<64x128xf32, #tpu.memory_space<hbm>>
    tpu.enqueue_dma source(%dma_start3A_26 : memref<64x128xf32, #tpu.memory_space<hbm>>) target(%arg15 : memref<64x128xf32, #tpu.memory_space<vmem>>) target_semaphore(%arg28 : memref<!tpu.dma_semaphore, #tpu.memory_space<semaphore_mem>>)
    %add3A_27 = arith.constant 128 : i32
    %add3A_28 = arith.addi %mul3A_2, %add3A_27 : i32
    %dma_start3A_29 = arith.constant 128 : i32
    %dma_start3A_30 = tpu.memref_slice %arg7[%dma_start3A_29] : memref<512xi32, #tpu.memory_space<vmem>> -> memref<64xi32, #tpu.memory_space<vmem>>
    %dma_start3A_31 = arith.constant 0 : i32
    %dma_start3A_32 = arith.constant 0 : i32
    %dma_start3A_33 = tpu.memref_slice %arg4[%dma_start3A_31, %dma_start3A_32] : memref<100000x128xf32, #tpu.memory_space<hbm>> -> memref<100000x128xf32, #tpu.memory_space<hbm>>
    tpu.enqueue_indirect_dma source(%dma_start3A_33 : memref<100000x128xf32, #tpu.memory_space<hbm>>) target(%arg10 : memref<64x128xf32, #tpu.memory_space<vmem>>) offsets(%dma_start3A_30 : memref<64xi32, #tpu.memory_space<vmem>>) semaphore(%arg23 : memref<!tpu.dma_semaphore, #tpu.memory_space<semaphore_mem>>)
    %dma_start3A_34 = arith.constant 0 : i32
    %dma_start3A_35 = tpu.memref_slice %arg3[%add3A_28, %dma_start3A_34] : memref<16384x128xf32, #tpu.memory_space<hbm>> -> memref<64x128xf32, #tpu.memory_space<hbm>>
    %dma_start3A_36 = arith.constant 0 : i32
    %dma_start3A_37 = tpu.memref_slice %arg3[%add3A_28, %dma_start3A_36] : memref<16384x128xf32, #tpu.memory_space<hbm>> -> memref<64x128xf32, #tpu.memory_space<hbm>>
    tpu.enqueue_dma source(%dma_start3A_37 : memref<64x128xf32, #tpu.memory_space<hbm>>) target(%arg16 : memref<64x128xf32, #tpu.memory_space<vmem>>) target_semaphore(%arg29 : memref<!tpu.dma_semaphore, #tpu.memory_space<semaphore_mem>>)
    %add3A_38 = arith.constant 192 : i32
    %add3A_39 = arith.addi %mul3A_2, %add3A_38 : i32
    %dma_start3A_40 = arith.constant 192 : i32
    %dma_start3A_41 = tpu.memref_slice %arg7[%dma_start3A_40] : memref<512xi32, #tpu.memory_space<vmem>> -> memref<64xi32, #tpu.memory_space<vmem>>
    %dma_start3A_42 = arith.constant 0 : i32
    %dma_start3A_43 = arith.constant 0 : i32
    %dma_start3A_44 = tpu.memref_slice %arg4[%dma_start3A_42, %dma_start3A_43] : memref<100000x128xf32, #tpu.memory_space<hbm>> -> memref<100000x128xf32, #tpu.memory_space<hbm>>
    tpu.enqueue_indirect_dma source(%dma_start3A_44 : memref<100000x128xf32, #tpu.memory_space<hbm>>) target(%arg11 : memref<64x128xf32, #tpu.memory_space<vmem>>) offsets(%dma_start3A_41 : memref<64xi32, #tpu.memory_space<vmem>>) semaphore(%arg24 : memref<!tpu.dma_semaphore, #tpu.memory_space<semaphore_mem>>)
    %dma_start3A_45 = arith.constant 0 : i32
    %dma_start3A_46 = tpu.memref_slice %arg3[%add3A_39, %dma_start3A_45] : memref<16384x128xf32, #tpu.memory_space<hbm>> -> memref<64x128xf32, #tpu.memory_space<hbm>>
    %dma_start3A_47 = arith.constant 0 : i32
    %dma_start3A_48 = tpu.memref_slice %arg3[%add3A_39, %dma_start3A_47] : memref<16384x128xf32, #tpu.memory_space<hbm>> -> memref<64x128xf32, #tpu.memory_space<hbm>>
    tpu.enqueue_dma source(%dma_start3A_48 : memref<64x128xf32, #tpu.memory_space<hbm>>) target(%arg17 : memref<64x128xf32, #tpu.memory_space<vmem>>) target_semaphore(%arg30 : memref<!tpu.dma_semaphore, #tpu.memory_space<semaphore_mem>>)
    %add3A_49 = arith.constant 256 : i32
    %add3A_50 = arith.addi %mul3A_2, %add3A_49 : i32
    %dma_start3A_51 = arith.constant 256 : i32
    %dma_start3A_52 = tpu.memref_slice %arg7[%dma_start3A_51] : memref<512xi32, #tpu.memory_space<vmem>> -> memref<64xi32, #tpu.memory_space<vmem>>
    %dma_start3A_53 = arith.constant 0 : i32
    %dma_start3A_54 = arith.constant 0 : i32
    %dma_start3A_55 = tpu.memref_slice %arg4[%dma_start3A_53, %dma_start3A_54] : memref<100000x128xf32, #tpu.memory_space<hbm>> -> memref<100000x128xf32, #tpu.memory_space<hbm>>
    tpu.enqueue_indirect_dma source(%dma_start3A_55 : memref<100000x128xf32, #tpu.memory_space<hbm>>) target(%arg12 : memref<64x128xf32, #tpu.memory_space<vmem>>) offsets(%dma_start3A_52 : memref<64xi32, #tpu.memory_space<vmem>>) semaphore(%arg25 : memref<!tpu.dma_semaphore, #tpu.memory_space<semaphore_mem>>)
    %dma_start3A_56 = arith.constant 0 : i32
    %dma_start3A_57 = tpu.memref_slice %arg3[%add3A_50, %dma_start3A_56] : memref<16384x128xf32, #tpu.memory_space<hbm>> -> memref<64x128xf32, #tpu.memory_space<hbm>>
    %dma_start3A_58 = arith.constant 0 : i32
    %dma_start3A_59 = tpu.memref_slice %arg3[%add3A_50, %dma_start3A_58] : memref<16384x128xf32, #tpu.memory_space<hbm>> -> memref<64x128xf32, #tpu.memory_space<hbm>>
    tpu.enqueue_dma source(%dma_start3A_59 : memref<64x128xf32, #tpu.memory_space<hbm>>) target(%arg18 : memref<64x128xf32, #tpu.memory_space<vmem>>) target_semaphore(%arg31 : memref<!tpu.dma_semaphore, #tpu.memory_space<semaphore_mem>>)
    %add3A_60 = arith.constant 320 : i32
    %add3A_61 = arith.addi %mul3A_2, %add3A_60 : i32
    %dma_start3A_62 = arith.constant 320 : i32
    %dma_start3A_63 = tpu.memref_slice %arg7[%dma_start3A_62] : memref<512xi32, #tpu.memory_space<vmem>> -> memref<64xi32, #tpu.memory_space<vmem>>
    %dma_start3A_64 = arith.constant 0 : i32
    %dma_start3A_65 = arith.constant 0 : i32
    %dma_start3A_66 = tpu.memref_slice %arg4[%dma_start3A_64, %dma_start3A_65] : memref<100000x128xf32, #tpu.memory_space<hbm>> -> memref<100000x128xf32, #tpu.memory_space<hbm>>
    tpu.enqueue_indirect_dma source(%dma_start3A_66 : memref<100000x128xf32, #tpu.memory_space<hbm>>) target(%arg13 : memref<64x128xf32, #tpu.memory_space<vmem>>) offsets(%dma_start3A_63 : memref<64xi32, #tpu.memory_space<vmem>>) semaphore(%arg26 : memref<!tpu.dma_semaphore, #tpu.memory_space<semaphore_mem>>)
    %dma_start3A_67 = arith.constant 0 : i32
    %dma_start3A_68 = tpu.memref_slice %arg3[%add3A_61, %dma_start3A_67] : memref<16384x128xf32, #tpu.memory_space<hbm>> -> memref<64x128xf32, #tpu.memory_space<hbm>>
    %dma_start3A_69 = arith.constant 0 : i32
    %dma_start3A_70 = tpu.memref_slice %arg3[%add3A_61, %dma_start3A_69] : memref<16384x128xf32, #tpu.memory_space<hbm>> -> memref<64x128xf32, #tpu.memory_space<hbm>>
    tpu.enqueue_dma source(%dma_start3A_70 : memref<64x128xf32, #tpu.memory_space<hbm>>) target(%arg19 : memref<64x128xf32, #tpu.memory_space<vmem>>) target_semaphore(%arg32 : memref<!tpu.dma_semaphore, #tpu.memory_space<semaphore_mem>>)
    %add3A_71 = arith.constant 0 : i32
    %add3A_72 = arith.addi %mul3A_2, %add3A_71 : i32
    %dma_wait3A_73 = arith.constant 0 : i32
    %dma_wait3A_74 = tpu.memref_slice %arg7[%dma_wait3A_73] : memref<512xi32, #tpu.memory_space<vmem>> -> memref<64xi32, #tpu.memory_space<vmem>>
    %dma_wait3A_75 = arith.constant 0 : i32
    %dma_wait3A_76 = arith.constant 0 : i32
    %dma_wait3A_77 = tpu.memref_slice %arg4[%dma_wait3A_75, %dma_wait3A_76] : memref<100000x128xf32, #tpu.memory_space<hbm>> -> memref<100000x128xf32, #tpu.memory_space<hbm>>
    tpu.wait_indirect_dma semaphore(%arg21 : memref<!tpu.dma_semaphore, #tpu.memory_space<semaphore_mem>>) src(%dma_wait3A_77 : memref<100000x128xf32, #tpu.memory_space<hbm>>) dst(%arg8 : memref<64x128xf32, #tpu.memory_space<vmem>>)
    %dma_start3A_78 = arith.constant 0 : i32
    %dma_start3A_79 = tpu.memref_slice %arg6[%add3A_72, %dma_start3A_78] : memref<16384x128xf32, #tpu.memory_space<hbm>> -> memref<64x128xf32, #tpu.memory_space<hbm>>
    %dma_start3A_80 = arith.constant 0 : i32
    %dma_start3A_81 = tpu.memref_slice %arg6[%add3A_72, %dma_start3A_80] : memref<16384x128xf32, #tpu.memory_space<hbm>> -> memref<64x128xf32, #tpu.memory_space<hbm>>
    tpu.enqueue_dma source(%arg8 : memref<64x128xf32, #tpu.memory_space<vmem>>) target(%dma_start3A_81 : memref<64x128xf32, #tpu.memory_space<hbm>>) target_semaphore(%arg33 : memref<!tpu.dma_semaphore, #tpu.memory_space<semaphore_mem>>)
    %dma_wait3A_82 = arith.constant 0 : i32
    %dma_wait3A_83 = tpu.memref_slice %arg3[%add3A_6, %dma_wait3A_82] : memref<16384x128xf32, #tpu.memory_space<hbm>> -> memref<64x128xf32, #tpu.memory_space<hbm>>
    %dma_wait3A_84 = arith.constant 0 : i32
    %dma_wait3A_85 = tpu.memref_slice %arg3[%add3A_6, %dma_wait3A_84] : memref<16384x128xf32, #tpu.memory_space<hbm>> -> memref<64x128xf32, #tpu.memory_space<hbm>>
    tpu.wait_dma2 semaphore(%arg27 : memref<!tpu.dma_semaphore, #tpu.memory_space<semaphore_mem>>) src(%dma_wait3A_85 : memref<64x128xf32, #tpu.memory_space<hbm>>) dst(%arg14 : memref<64x128xf32, #tpu.memory_space<vmem>>)
    %scan3A = arith.constant 0 : i32
    %scan3A_86 = arith.constant 0 : i32
    %scan3A_87 = arith.constant 64 : i32
    %scan3A_88 = arith.addi %scan3A_86, %scan3A_87 : i32
    %scan3A_89 = arith.constant 1 : i32
    %scan3A_90 = scf.for %scan3A_364 = %scan3A_86 to %scan3A_88 step %scan3A_89 iter_args(%scan3A_365 = %scan3A) -> (i32)  : i32 {
      %get3A = arith.index_cast %scan3A_364 : i32 to index
      %get3A_366 = arith.constant 0 : index
      %get3A_367 = tpu.vector_load %arg14[%get3A, %get3A_366] {strides = array<i32>} : memref<64x128xf32, #tpu.memory_space<vmem>>, vector<1x16xf32>,
      %get3A_368 = vector.shape_cast %get3A_367 : vector<1x16xf32> to vector<16xf32>
      %get3A_369 = arith.index_cast %scan3A_364 : i32 to index
      %get3A_370 = arith.constant 0 : index
      %get3A_371 = tpu.vector_load %arg8[%get3A_369, %get3A_370] {strides = array<i32>} : memref<64x128xf32, #tpu.memory_space<vmem>>, vector<1x16xf32>,
      %get3A_372 = vector.shape_cast %get3A_371 : vector<1x16xf32> to vector<16xf32>
      %mul3A_373 = arith.mulf %get3A_368, %get3A_372 : vector<16xf32>
      %swap3A = arith.index_cast %scan3A_364 : i32 to index
      %swap3A_374 = arith.constant 0 : index
      %swap3A_375 = tpu.vector_load %arg14[%swap3A, %swap3A_374] {strides = array<i32>} : memref<64x128xf32, #tpu.memory_space<vmem>>, vector<1x16xf32>,
      %swap3A_376 = vector.shape_cast %swap3A_375 : vector<1x16xf32> to vector<16xf32>
      %swap3A_377 = vector.shape_cast %mul3A_373 : vector<16xf32> to vector<1x16xf32>
      tpu.vector_store %arg14[%swap3A, %swap3A_374], %swap3A_377 {strides = array<i32>} : memref<64x128xf32, #tpu.memory_space<vmem>>, vector<1x16xf32>,
      %get3A_378 = arith.index_cast %scan3A_364 : i32 to index
      %get3A_379 = arith.constant 16 : index
      %get3A_380 = tpu.vector_load %arg14[%get3A_378, %get3A_379] {strides = array<i32>} : memref<64x128xf32, #tpu.memory_space<vmem>>, vector<1x16xf32>,
      %get3A_381 = vector.shape_cast %get3A_380 : vector<1x16xf32> to vector<16xf32>
      %get3A_382 = arith.index_cast %scan3A_364 : i32 to index
      %get3A_383 = arith.constant 16 : index
      %get3A_384 = tpu.vector_load %arg8[%get3A_382, %get3A_383] {strides = array<i32>} : memref<64x128xf32, #tpu.memory_space<vmem>>, vector<1x16xf32>,
      %get3A_385 = vector.shape_cast %get3A_384 : vector<1x16xf32> to vector<16xf32>
      %mul3A_386 = arith.mulf %get3A_381, %get3A_385 : vector<16xf32>
      %swap3A_387 = arith.index_cast %scan3A_364 : i32 to index
      %swap3A_388 = arith.constant 16 : index
      %swap3A_389 = tpu.vector_load %arg14[%swap3A_387, %swap3A_388] {strides = array<i32>} : memref<64x128xf32, #tpu.memory_space<vmem>>, vector<1x16xf32>,
      %swap3A_390 = vector.shape_cast %swap3A_389 : vector<1x16xf32> to vector<16xf32>
      %swap3A_391 = vector.shape_cast %mul3A_386 : vector<16xf32> to vector<1x16xf32>
      tpu.vector_store %arg14[%swap3A_387, %swap3A_388], %swap3A_391 {strides = array<i32>} : memref<64x128xf32, #tpu.memory_space<vmem>>, vector<1x16xf32>,
      %get3A_392 = arith.index_cast %scan3A_364 : i32 to index
      %get3A_393 = arith.constant 32 : index
      %get3A_394 = tpu.vector_load %arg14[%get3A_392, %get3A_393] {strides = array<i32>} : memref<64x128xf32, #tpu.memory_space<vmem>>, vector<1x16xf32>,
      %get3A_395 = vector.shape_cast %get3A_394 : vector<1x16xf32> to vector<16xf32>
      %get3A_396 = arith.index_cast %scan3A_364 : i32 to index
      %get3A_397 = arith.constant 32 : index
      %get3A_398 = tpu.vector_load %arg8[%get3A_396, %get3A_397] {strides = array<i32>} : memref<64x128xf32, #tpu.memory_space<vmem>>, vector<1x16xf32>,
      %get3A_399 = vector.shape_cast %get3A_398 : vector<1x16xf32> to vector<16xf32>
      %mul3A_400 = arith.mulf %get3A_395, %get3A_399 : vector<16xf32>
      %swap3A_401 = arith.index_cast %scan3A_364 : i32 to index
      %swap3A_402 = arith.constant 32 : index
      %swap3A_403 = tpu.vector_load %arg14[%swap3A_401, %swap3A_402] {strides = array<i32>} : memref<64x128xf32, #tpu.memory_space<vmem>>, vector<1x16xf32>,
      %swap3A_404 = vector.shape_cast %swap3A_403 : vector<1x16xf32> to vector<16xf32>
      %swap3A_405 = vector.shape_cast %mul3A_400 : vector<16xf32> to vector<1x16xf32>
      tpu.vector_store %arg14[%swap3A_401, %swap3A_402], %swap3A_405 {strides = array<i32>} : memref<64x128xf32, #tpu.memory_space<vmem>>, vector<1x16xf32>,
      %get3A_406 = arith.index_cast %scan3A_364 : i32 to index
      %get3A_407 = arith.constant 48 : index
      %get3A_408 = tpu.vector_load %arg14[%get3A_406, %get3A_407] {strides = array<i32>} : memref<64x128xf32, #tpu.memory_space<vmem>>, vector<1x16xf32>,
      %get3A_409 = vector.shape_cast %get3A_408 : vector<1x16xf32> to vector<16xf32>
      %get3A_410 = arith.index_cast %scan3A_364 : i32 to index
      %get3A_411 = arith.constant 48 : index
      %get3A_412 = tpu.vector_load %arg8[%get3A_410, %get3A_411] {strides = array<i32>} : memref<64x128xf32, #tpu.memory_space<vmem>>, vector<1x16xf32>,
      %get3A_413 = vector.shape_cast %get3A_412 : vector<1x16xf32> to vector<16xf32>
      %mul3A_414 = arith.mulf %get3A_409, %get3A_413 : vector<16xf32>
      %swap3A_415 = arith.index_cast %scan3A_364 : i32 to index
      %swap3A_416 = arith.constant 48 : index
      %swap3A_417 = tpu.vector_load %arg14[%swap3A_415, %swap3A_416] {strides = array<i32>} : memref<64x128xf32, #tpu.memory_space<vmem>>, vector<1x16xf32>,
      %swap3A_418 = vector.shape_cast %swap3A_417 : vector<1x16xf32> to vector<16xf32>
      %swap3A_419 = vector.shape_cast %mul3A_414 : vector<16xf32> to vector<1x16xf32>
      tpu.vector_store %arg14[%swap3A_415, %swap3A_416], %swap3A_419 {strides = array<i32>} : memref<64x128xf32, #tpu.memory_space<vmem>>, vector<1x16xf32>,
      %get3A_420 = arith.index_cast %scan3A_364 : i32 to index
      %get3A_421 = arith.constant 64 : index
      %get3A_422 = tpu.vector_load %arg14[%get3A_420, %get3A_421] {strides = array<i32>} : memref<64x128xf32, #tpu.memory_space<vmem>>, vector<1x16xf32>,
      %get3A_423 = vector.shape_cast %get3A_422 : vector<1x16xf32> to vector<16xf32>
      %get3A_424 = arith.index_cast %scan3A_364 : i32 to index
      %get3A_425 = arith.constant 64 : index
      %get3A_426 = tpu.vector_load %arg8[%get3A_424, %get3A_425] {strides = array<i32>} : memref<64x128xf32, #tpu.memory_space<vmem>>, vector<1x16xf32>,
      %get3A_427 = vector.shape_cast %get3A_426 : vector<1x16xf32> to vector<16xf32>
      %mul3A_428 = arith.mulf %get3A_423, %get3A_427 : vector<16xf32>
      %swap3A_429 = arith.index_cast %scan3A_364 : i32 to index
      %swap3A_430 = arith.constant 64 : index
      %swap3A_431 = tpu.vector_load %arg14[%swap3A_429, %swap3A_430] {strides = array<i32>} : memref<64x128xf32, #tpu.memory_space<vmem>>, vector<1x16xf32>,
      %swap3A_432 = vector.shape_cast %swap3A_431 : vector<1x16xf32> to vector<16xf32>
      %swap3A_433 = vector.shape_cast %mul3A_428 : vector<16xf32> to vector<1x16xf32>
      tpu.vector_store %arg14[%swap3A_429, %swap3A_430], %swap3A_433 {strides = array<i32>} : memref<64x128xf32, #tpu.memory_space<vmem>>, vector<1x16xf32>,
      %get3A_434 = arith.index_cast %scan3A_364 : i32 to index
      %get3A_435 = arith.constant 80 : index
      %get3A_436 = tpu.vector_load %arg14[%get3A_434, %get3A_435] {strides = array<i32>} : memref<64x128xf32, #tpu.memory_space<vmem>>, vector<1x16xf32>,
      %get3A_437 = vector.shape_cast %get3A_436 : vector<1x16xf32> to vector<16xf32>
      %get3A_438 = arith.index_cast %scan3A_364 : i32 to index
      %get3A_439 = arith.constant 80 : index
      %get3A_440 = tpu.vector_load %arg8[%get3A_438, %get3A_439] {strides = array<i32>} : memref<64x128xf32, #tpu.memory_space<vmem>>, vector<1x16xf32>,
      %get3A_441 = vector.shape_cast %get3A_440 : vector<1x16xf32> to vector<16xf32>
      %mul3A_442 = arith.mulf %get3A_437, %get3A_441 : vector<16xf32>
      %swap3A_443 = arith.index_cast %scan3A_364 : i32 to index
      %swap3A_444 = arith.constant 80 : index
      %swap3A_445 = tpu.vector_load %arg14[%swap3A_443, %swap3A_444] {strides = array<i32>} : memref<64x128xf32, #tpu.memory_space<vmem>>, vector<1x16xf32>,
      %swap3A_446 = vector.shape_cast %swap3A_445 : vector<1x16xf32> to vector<16xf32>
      %swap3A_447 = vector.shape_cast %mul3A_442 : vector<16xf32> to vector<1x16xf32>
      tpu.vector_store %arg14[%swap3A_443, %swap3A_444], %swap3A_447 {strides = array<i32>} : memref<64x128xf32, #tpu.memory_space<vmem>>, vector<1x16xf32>,
      %get3A_448 = arith.index_cast %scan3A_364 : i32 to index
      %get3A_449 = arith.constant 96 : index
      %get3A_450 = tpu.vector_load %arg14[%get3A_448, %get3A_449] {strides = array<i32>} : memref<64x128xf32, #tpu.memory_space<vmem>>, vector<1x16xf32>,
      %get3A_451 = vector.shape_cast %get3A_450 : vector<1x16xf32> to vector<16xf32>
      %get3A_452 = arith.index_cast %scan3A_364 : i32 to index
      %get3A_453 = arith.constant 96 : index
      %get3A_454 = tpu.vector_load %arg8[%get3A_452, %get3A_453] {strides = array<i32>} : memref<64x128xf32, #tpu.memory_space<vmem>>, vector<1x16xf32>,
      %get3A_455 = vector.shape_cast %get3A_454 : vector<1x16xf32> to vector<16xf32>
      %mul3A_456 = arith.mulf %get3A_451, %get3A_455 : vector<16xf32>
      %swap3A_457 = arith.index_cast %scan3A_364 : i32 to index
      %swap3A_458 = arith.constant 96 : index
      %swap3A_459 = tpu.vector_load %arg14[%swap3A_457, %swap3A_458] {strides = array<i32>} : memref<64x128xf32, #tpu.memory_space<vmem>>, vector<1x16xf32>,
      %swap3A_460 = vector.shape_cast %swap3A_459 : vector<1x16xf32> to vector<16xf32>
      %swap3A_461 = vector.shape_cast %mul3A_456 : vector<16xf32> to vector<1x16xf32>
      tpu.vector_store %arg14[%swap3A_457, %swap3A_458], %swap3A_461 {strides = array<i32>} : memref<64x128xf32, #tpu.memory_space<vmem>>, vector<1x16xf32>,
      %get3A_462 = arith.index_cast %scan3A_364 : i32 to index
      %get3A_463 = arith.constant 112 : index
      %get3A_464 = tpu.vector_load %arg14[%get3A_462, %get3A_463] {strides = array<i32>} : memref<64x128xf32, #tpu.memory_space<vmem>>, vector<1x16xf32>,
      %get3A_465 = vector.shape_cast %get3A_464 : vector<1x16xf32> to vector<16xf32>
      %get3A_466 = arith.index_cast %scan3A_364 : i32 to index
      %get3A_467 = arith.constant 112 : index
      %get3A_468 = tpu.vector_load %arg8[%get3A_466, %get3A_467] {strides = array<i32>} : memref<64x128xf32, #tpu.memory_space<vmem>>, vector<1x16xf32>,
      %get3A_469 = vector.shape_cast %get3A_468 : vector<1x16xf32> to vector<16xf32>
      %mul3A_470 = arith.mulf %get3A_465, %get3A_469 : vector<16xf32>
      %swap3A_471 = arith.index_cast %scan3A_364 : i32 to index
      %swap3A_472 = arith.constant 112 : index
      %swap3A_473 = tpu.vector_load %arg14[%swap3A_471, %swap3A_472] {strides = array<i32>} : memref<64x128xf32, #tpu.memory_space<vmem>>, vector<1x16xf32>,
      %swap3A_474 = vector.shape_cast %swap3A_473 : vector<1x16xf32> to vector<16xf32>
      %swap3A_475 = vector.shape_cast %mul3A_470 : vector<16xf32> to vector<1x16xf32>
      tpu.vector_store %arg14[%swap3A_471, %swap3A_472], %swap3A_475 {strides = array<i32>} : memref<64x128xf32, #tpu.memory_space<vmem>>, vector<1x16xf32>,
      %scan3A_476 = arith.constant 0 : i32
      scf.yield %scan3A_476 : i32
    }
    %scan3A_91 = arith.constant 64 : i32
    %dma_start3A_92 = arith.constant 0 : i32
    %dma_start3A_93 = tpu.memref_slice %arg5[%add3A_72, %dma_start3A_92] : memref<16384x128xf32, #tpu.memory_space<hbm>> -> memref<64x128xf32, #tpu.memory_space<hbm>>
    %dma_start3A_94 = arith.constant 0 : i32
    %dma_start3A_95 = tpu.memref_slice %arg5[%add3A_72, %dma_start3A_94] : memref<16384x128xf32, #tpu.memory_space<hbm>> -> memref<64x128xf32, #tpu.memory_space<hbm>>
    tpu.enqueue_dma source(%arg14 : memref<64x128xf32, #tpu.memory_space<vmem>>) target(%dma_start3A_95 : memref<64x128xf32, #tpu.memory_space<hbm>>) target_semaphore(%arg39 : memref<!tpu.dma_semaphore, #tpu.memory_space<semaphore_mem>>)
    %add3A_96 = arith.constant 384 : i32
    %add3A_97 = arith.addi %mul3A_2, %add3A_96 : i32
    %dma_wait3A_98 = arith.constant 0 : i32
    %dma_wait3A_99 = tpu.memref_slice %arg6[%add3A_72, %dma_wait3A_98] : memref<16384x128xf32, #tpu.memory_space<hbm>> -> memref<64x128xf32, #tpu.memory_space<hbm>>
    %dma_wait3A_100 = arith.constant 0 : i32
    %dma_wait3A_101 = tpu.memref_slice %arg6[%add3A_72, %dma_wait3A_100] : memref<16384x128xf32, #tpu.memory_space<hbm>> -> memref<64x128xf32, #tpu.memory_space<hbm>>
    tpu.wait_dma2 semaphore(%arg33 : memref<!tpu.dma_semaphore, #tpu.memory_space<semaphore_mem>>) src(%arg8 : memref<64x128xf32, #tpu.memory_space<vmem>>) dst(%dma_wait3A_101 : memref<64x128xf32, #tpu.memory_space<hbm>>)
    %dma_start3A_102 = arith.constant 384 : i32
    %dma_start3A_103 = tpu.memref_slice %arg7[%dma_start3A_102] : memref<512xi32, #tpu.memory_space<vmem>> -> memref<64xi32, #tpu.memory_space<vmem>>
    %dma_start3A_104 = arith.constant 0 : i32
    %dma_start3A_105 = arith.constant 0 : i32
    %dma_start3A_106 = tpu.memref_slice %arg4[%dma_start3A_104, %dma_start3A_105] : memref<100000x128xf32, #tpu.memory_space<hbm>> -> memref<100000x128xf32, #tpu.memory_space<hbm>>
    tpu.enqueue_indirect_dma source(%dma_start3A_106 : memref<100000x128xf32, #tpu.memory_space<hbm>>) target(%arg8 : memref<64x128xf32, #tpu.memory_space<vmem>>) offsets(%dma_start3A_103 : memref<64xi32, #tpu.memory_space<vmem>>) semaphore(%arg21 : memref<!tpu.dma_semaphore, #tpu.memory_space<semaphore_mem>>)
    %dma_wait3A_107 = arith.constant 0 : i32
    %dma_wait3A_108 = tpu.memref_slice %arg5[%add3A_72, %dma_wait3A_107] : memref<16384x128xf32, #tpu.memory_space<hbm>> -> memref<64x128xf32, #tpu.memory_space<hbm>>
    %dma_wait3A_109 = arith.constant 0 : i32
    %dma_wait3A_110 = tpu.memref_slice %arg5[%add3A_72, %dma_wait3A_109] : memref<16384x128xf32, #tpu.memory_space<hbm>> -> memref<64x128xf32, #tpu.memory_space<hbm>>
    tpu.wait_dma2 semaphore(%arg39 : memref<!tpu.dma_semaphore, #tpu.memory_space<semaphore_mem>>) src(%arg14 : memref<64x128xf32, #tpu.memory_space<vmem>>) dst(%dma_wait3A_110 : memref<64x128xf32, #tpu.memory_space<hbm>>)
    %dma_start3A_111 = arith.constant 0 : i32
    %dma_start3A_112 = tpu.memref_slice %arg3[%add3A_97, %dma_start3A_111] : memref<16384x128xf32, #tpu.memory_space<hbm>> -> memref<64x128xf32, #tpu.memory_space<hbm>>
    %dma_start3A_113 = arith.constant 0 : i32
    %dma_start3A_114 = tpu.memref_slice %arg3[%add3A_97, %dma_start3A_113] : memref<16384x128xf32, #tpu.memory_space<hbm>> -> memref<64x128xf32, #tpu.memory_space<hbm>>
    tpu.enqueue_dma source(%dma_start3A_114 : memref<64x128xf32, #tpu.memory_space<hbm>>) target(%arg14 : memref<64x128xf32, #tpu.memory_space<vmem>>) target_semaphore(%arg27 : memref<!tpu.dma_semaphore, #tpu.memory_space<semaphore_mem>>)
    %add3A_115 = arith.constant 64 : i32
    %add3A_116 = arith.addi %mul3A_2, %add3A_115 : i32
    %dma_wait3A_117 = arith.constant 64 : i32
    %dma_wait3A_118 = tpu.memref_slice %arg7[%dma_wait3A_117] : memref<512xi32, #tpu.memory_space<vmem>> -> memref<64xi32, #tpu.memory_space<vmem>>
    %dma_wait3A_119 = arith.constant 0 : i32
    %dma_wait3A_120 = arith.constant 0 : i32
    %dma_wait3A_121 = tpu.memref_slice %arg4[%dma_wait3A_119, %dma_wait3A_120] : memref<100000x128xf32, #tpu.memory_space<hbm>> -> memref<100000x128xf32, #tpu.memory_space<hbm>>
    tpu.wait_indirect_dma semaphore(%arg22 : memref<!tpu.dma_semaphore, #tpu.memory_space<semaphore_mem>>) src(%dma_wait3A_121 : memref<100000x128xf32, #tpu.memory_space<hbm>>) dst(%arg9 : memref<64x128xf32, #tpu.memory_space<vmem>>)
    %dma_start3A_122 = arith.constant 0 : i32
    %dma_start3A_123 = tpu.memref_slice %arg6[%add3A_116, %dma_start3A_122] : memref<16384x128xf32, #tpu.memory_space<hbm>> -> memref<64x128xf32, #tpu.memory_space<hbm>>
    %dma_start3A_124 = arith.constant 0 : i32
    %dma_start3A_125 = tpu.memref_slice %arg6[%add3A_116, %dma_start3A_124] : memref<16384x128xf32, #tpu.memory_space<hbm>> -> memref<64x128xf32, #tpu.memory_space<hbm>>
    tpu.enqueue_dma source(%arg9 : memref<64x128xf32, #tpu.memory_space<vmem>>) target(%dma_start3A_125 : memref<64x128xf32, #tpu.memory_space<hbm>>) target_semaphore(%arg34 : memref<!tpu.dma_semaphore, #tpu.memory_space<semaphore_mem>>)
    %dma_wait3A_126 = arith.constant 0 : i32
    %dma_wait3A_127 = tpu.memref_slice %arg3[%add3A_17, %dma_wait3A_126] : memref<16384x128xf32, #tpu.memory_space<hbm>> -> memref<64x128xf32, #tpu.memory_space<hbm>>
    %dma_wait3A_128 = arith.constant 0 : i32
    %dma_wait3A_129 = tpu.memref_slice %arg3[%add3A_17, %dma_wait3A_128] : memref<16384x128xf32, #tpu.memory_space<hbm>> -> memref<64x128xf32, #tpu.memory_space<hbm>>
    tpu.wait_dma2 semaphore(%arg28 : memref<!tpu.dma_semaphore, #tpu.memory_space<semaphore_mem>>) src(%dma_wait3A_129 : memref<64x128xf32, #tpu.memory_space<hbm>>) dst(%arg15 : memref<64x128xf32, #tpu.memory_space<vmem>>)
    %scan3A_130 = arith.constant 0 : i32
    %scan3A_131 = arith.constant 0 : i32
    %scan3A_132 = arith.constant 64 : i32
    %scan3A_133 = arith.addi %scan3A_131, %scan3A_132 : i32
    %scan3A_134 = arith.constant 1 : i32
    %scan3A_135 = scf.for %scan3A_364 = %scan3A_131 to %scan3A_133 step %scan3A_134 iter_args(%scan3A_365 = %scan3A_130) -> (i32)  : i32 {
      %get3A = arith.index_cast %scan3A_364 : i32 to index
      %get3A_366 = arith.constant 0 : index
      %get3A_367 = tpu.vector_load %arg15[%get3A, %get3A_366] {strides = array<i32>} : memref<64x128xf32, #tpu.memory_space<vmem>>, vector<1x16xf32>,
      %get3A_368 = vector.shape_cast %get3A_367 : vector<1x16xf32> to vector<16xf32>
      %get3A_369 = arith.index_cast %scan3A_364 : i32 to index
      %get3A_370 = arith.constant 0 : index
      %get3A_371 = tpu.vector_load %arg9[%get3A_369, %get3A_370] {strides = array<i32>} : memref<64x128xf32, #tpu.memory_space<vmem>>, vector<1x16xf32>,
      %get3A_372 = vector.shape_cast %get3A_371 : vector<1x16xf32> to vector<16xf32>
      %mul3A_373 = arith.mulf %get3A_368, %get3A_372 : vector<16xf32>
      %swap3A = arith.index_cast %scan3A_364 : i32 to index
      %swap3A_374 = arith.constant 0 : index
      %swap3A_375 = tpu.vector_load %arg15[%swap3A, %swap3A_374] {strides = array<i32>} : memref<64x128xf32, #tpu.memory_space<vmem>>, vector<1x16xf32>,
      %swap3A_376 = vector.shape_cast %swap3A_375 : vector<1x16xf32> to vector<16xf32>
      %swap3A_377 = vector.shape_cast %mul3A_373 : vector<16xf32> to vector<1x16xf32>
      tpu.vector_store %arg15[%swap3A, %swap3A_374], %swap3A_377 {strides = array<i32>} : memref<64x128xf32, #tpu.memory_space<vmem>>, vector<1x16xf32>,
      %get3A_378 = arith.index_cast %scan3A_364 : i32 to index
      %get3A_379 = arith.constant 16 : index
      %get3A_380 = tpu.vector_load %arg15[%get3A_378, %get3A_379] {strides = array<i32>} : memref<64x128xf32, #tpu.memory_space<vmem>>, vector<1x16xf32>,
      %get3A_381 = vector.shape_cast %get3A_380 : vector<1x16xf32> to vector<16xf32>
      %get3A_382 = arith.index_cast %scan3A_364 : i32 to index
      %get3A_383 = arith.constant 16 : index
      %get3A_384 = tpu.vector_load %arg9[%get3A_382, %get3A_383] {strides = array<i32>} : memref<64x128xf32, #tpu.memory_space<vmem>>, vector<1x16xf32>,
      %get3A_385 = vector.shape_cast %get3A_384 : vector<1x16xf32> to vector<16xf32>
      %mul3A_386 = arith.mulf %get3A_381, %get3A_385 : vector<16xf32>
      %swap3A_387 = arith.index_cast %scan3A_364 : i32 to index
      %swap3A_388 = arith.constant 16 : index
      %swap3A_389 = tpu.vector_load %arg15[%swap3A_387, %swap3A_388] {strides = array<i32>} : memref<64x128xf32, #tpu.memory_space<vmem>>, vector<1x16xf32>,
      %swap3A_390 = vector.shape_cast %swap3A_389 : vector<1x16xf32> to vector<16xf32>
      %swap3A_391 = vector.shape_cast %mul3A_386 : vector<16xf32> to vector<1x16xf32>
      tpu.vector_store %arg15[%swap3A_387, %swap3A_388], %swap3A_391 {strides = array<i32>} : memref<64x128xf32, #tpu.memory_space<vmem>>, vector<1x16xf32>,
      %get3A_392 = arith.index_cast %scan3A_364 : i32 to index
      %get3A_393 = arith.constant 32 : index
      %get3A_394 = tpu.vector_load %arg15[%get3A_392, %get3A_393] {strides = array<i32>} : memref<64x128xf32, #tpu.memory_space<vmem>>, vector<1x16xf32>,
      %get3A_395 = vector.shape_cast %get3A_394 : vector<1x16xf32> to vector<16xf32>
      %get3A_396 = arith.index_cast %scan3A_364 : i32 to index
      %get3A_397 = arith.constant 32 : index
      %get3A_398 = tpu.vector_load %arg9[%get3A_396, %get3A_397] {strides = array<i32>} : memref<64x128xf32, #tpu.memory_space<vmem>>, vector<1x16xf32>,
      %get3A_399 = vector.shape_cast %get3A_398 : vector<1x16xf32> to vector<16xf32>
      %mul3A_400 = arith.mulf %get3A_395, %get3A_399 : vector<16xf32>
      %swap3A_401 = arith.index_cast %scan3A_364 : i32 to index
      %swap3A_402 = arith.constant 32 : index
      %swap3A_403 = tpu.vector_load %arg15[%swap3A_401, %swap3A_402] {strides = array<i32>} : memref<64x128xf32, #tpu.memory_space<vmem>>, vector<1x16xf32>,
      %swap3A_404 = vector.shape_cast %swap3A_403 : vector<1x16xf32> to vector<16xf32>
      %swap3A_405 = vector.shape_cast %mul3A_400 : vector<16xf32> to vector<1x16xf32>
      tpu.vector_store %arg15[%swap3A_401, %swap3A_402], %swap3A_405 {strides = array<i32>} : memref<64x128xf32, #tpu.memory_space<vmem>>, vector<1x16xf32>,
      %get3A_406 = arith.index_cast %scan3A_364 : i32 to index
      %get3A_407 = arith.constant 48 : index
      %get3A_408 = tpu.vector_load %arg15[%get3A_406, %get3A_407] {strides = array<i32>} : memref<64x128xf32, #tpu.memory_space<vmem>>, vector<1x16xf32>,
      %get3A_409 = vector.shape_cast %get3A_408 : vector<1x16xf32> to vector<16xf32>
      %get3A_410 = arith.index_cast %scan3A_364 : i32 to index
      %get3A_411 = arith.constant 48 : index
      %get3A_412 = tpu.vector_load %arg9[%get3A_410, %get3A_411] {strides = array<i32>} : memref<64x128xf32, #tpu.memory_space<vmem>>, vector<1x16xf32>,
      %get3A_413 = vector.shape_cast %get3A_412 : vector<1x16xf32> to vector<16xf32>
      %mul3A_414 = arith.mulf %get3A_409, %get3A_413 : vector<16xf32>
      %swap3A_415 = arith.index_cast %scan3A_364 : i32 to index
      %swap3A_416 = arith.constant 48 : index
      %swap3A_417 = tpu.vector_load %arg15[%swap3A_415, %swap3A_416] {strides = array<i32>} : memref<64x128xf32, #tpu.memory_space<vmem>>, vector<1x16xf32>,
      %swap3A_418 = vector.shape_cast %swap3A_417 : vector<1x16xf32> to vector<16xf32>
      %swap3A_419 = vector.shape_cast %mul3A_414 : vector<16xf32> to vector<1x16xf32>
      tpu.vector_store %arg15[%swap3A_415, %swap3A_416], %swap3A_419 {strides = array<i32>} : memref<64x128xf32, #tpu.memory_space<vmem>>, vector<1x16xf32>,
      %get3A_420 = arith.index_cast %scan3A_364 : i32 to index
      %get3A_421 = arith.constant 64 : index
      %get3A_422 = tpu.vector_load %arg15[%get3A_420, %get3A_421] {strides = array<i32>} : memref<64x128xf32, #tpu.memory_space<vmem>>, vector<1x16xf32>,
      %get3A_423 = vector.shape_cast %get3A_422 : vector<1x16xf32> to vector<16xf32>
      %get3A_424 = arith.index_cast %scan3A_364 : i32 to index
      %get3A_425 = arith.constant 64 : index
      %get3A_426 = tpu.vector_load %arg9[%get3A_424, %get3A_425] {strides = array<i32>} : memref<64x128xf32, #tpu.memory_space<vmem>>, vector<1x16xf32>,
      %get3A_427 = vector.shape_cast %get3A_426 : vector<1x16xf32> to vector<16xf32>
      %mul3A_428 = arith.mulf %get3A_423, %get3A_427 : vector<16xf32>
      %swap3A_429 = arith.index_cast %scan3A_364 : i32 to index
      %swap3A_430 = arith.constant 64 : index
      %swap3A_431 = tpu.vector_load %arg15[%swap3A_429, %swap3A_430] {strides = array<i32>} : memref<64x128xf32, #tpu.memory_space<vmem>>, vector<1x16xf32>,
      %swap3A_432 = vector.shape_cast %swap3A_431 : vector<1x16xf32> to vector<16xf32>
      %swap3A_433 = vector.shape_cast %mul3A_428 : vector<16xf32> to vector<1x16xf32>
      tpu.vector_store %arg15[%swap3A_429, %swap3A_430], %swap3A_433 {strides = array<i32>} : memref<64x128xf32, #tpu.memory_space<vmem>>, vector<1x16xf32>,
      %get3A_434 = arith.index_cast %scan3A_364 : i32 to index
      %get3A_435 = arith.constant 80 : index
      %get3A_436 = tpu.vector_load %arg15[%get3A_434, %get3A_435] {strides = array<i32>} : memref<64x128xf32, #tpu.memory_space<vmem>>, vector<1x16xf32>,
      %get3A_437 = vector.shape_cast %get3A_436 : vector<1x16xf32> to vector<16xf32>
      %get3A_438 = arith.index_cast %scan3A_364 : i32 to index
      %get3A_439 = arith.constant 80 : index
      %get3A_440 = tpu.vector_load %arg9[%get3A_438, %get3A_439] {strides = array<i32>} : memref<64x128xf32, #tpu.memory_space<vmem>>, vector<1x16xf32>,
      %get3A_441 = vector.shape_cast %get3A_440 : vector<1x16xf32> to vector<16xf32>
      %mul3A_442 = arith.mulf %get3A_437, %get3A_441 : vector<16xf32>
      %swap3A_443 = arith.index_cast %scan3A_364 : i32 to index
      %swap3A_444 = arith.constant 80 : index
      %swap3A_445 = tpu.vector_load %arg15[%swap3A_443, %swap3A_444] {strides = array<i32>} : memref<64x128xf32, #tpu.memory_space<vmem>>, vector<1x16xf32>,
      %swap3A_446 = vector.shape_cast %swap3A_445 : vector<1x16xf32> to vector<16xf32>
      %swap3A_447 = vector.shape_cast %mul3A_442 : vector<16xf32> to vector<1x16xf32>
      tpu.vector_store %arg15[%swap3A_443, %swap3A_444], %swap3A_447 {strides = array<i32>} : memref<64x128xf32, #tpu.memory_space<vmem>>, vector<1x16xf32>,
      %get3A_448 = arith.index_cast %scan3A_364 : i32 to index
      %get3A_449 = arith.constant 96 : index
      %get3A_450 = tpu.vector_load %arg15[%get3A_448, %get3A_449] {strides = array<i32>} : memref<64x128xf32, #tpu.memory_space<vmem>>, vector<1x16xf32>,
      %get3A_451 = vector.shape_cast %get3A_450 : vector<1x16xf32> to vector<16xf32>
      %get3A_452 = arith.index_cast %scan3A_364 : i32 to index
      %get3A_453 = arith.constant 96 : index
      %get3A_454 = tpu.vector_load %arg9[%get3A_452, %get3A_453] {strides = array<i32>} : memref<64x128xf32, #tpu.memory_space<vmem>>, vector<1x16xf32>,
      %get3A_455 = vector.shape_cast %get3A_454 : vector<1x16xf32> to vector<16xf32>
      %mul3A_456 = arith.mulf %get3A_451, %get3A_455 : vector<16xf32>
      %swap3A_457 = arith.index_cast %scan3A_364 : i32 to index
      %swap3A_458 = arith.constant 96 : index
      %swap3A_459 = tpu.vector_load %arg15[%swap3A_457, %swap3A_458] {strides = array<i32>} : memref<64x128xf32, #tpu.memory_space<vmem>>, vector<1x16xf32>,
      %swap3A_460 = vector.shape_cast %swap3A_459 : vector<1x16xf32> to vector<16xf32>
      %swap3A_461 = vector.shape_cast %mul3A_456 : vector<16xf32> to vector<1x16xf32>
      tpu.vector_store %arg15[%swap3A_457, %swap3A_458], %swap3A_461 {strides = array<i32>} : memref<64x128xf32, #tpu.memory_space<vmem>>, vector<1x16xf32>,
      %get3A_462 = arith.index_cast %scan3A_364 : i32 to index
      %get3A_463 = arith.constant 112 : index
      %get3A_464 = tpu.vector_load %arg15[%get3A_462, %get3A_463] {strides = array<i32>} : memref<64x128xf32, #tpu.memory_space<vmem>>, vector<1x16xf32>,
      %get3A_465 = vector.shape_cast %get3A_464 : vector<1x16xf32> to vector<16xf32>
      %get3A_466 = arith.index_cast %scan3A_364 : i32 to index
      %get3A_467 = arith.constant 112 : index
      %get3A_468 = tpu.vector_load %arg9[%get3A_466, %get3A_467] {strides = array<i32>} : memref<64x128xf32, #tpu.memory_space<vmem>>, vector<1x16xf32>,
      %get3A_469 = vector.shape_cast %get3A_468 : vector<1x16xf32> to vector<16xf32>
      %mul3A_470 = arith.mulf %get3A_465, %get3A_469 : vector<16xf32>
      %swap3A_471 = arith.index_cast %scan3A_364 : i32 to index
      %swap3A_472 = arith.constant 112 : index
      %swap3A_473 = tpu.vector_load %arg15[%swap3A_471, %swap3A_472] {strides = array<i32>} : memref<64x128xf32, #tpu.memory_space<vmem>>, vector<1x16xf32>,
      %swap3A_474 = vector.shape_cast %swap3A_473 : vector<1x16xf32> to vector<16xf32>
      %swap3A_475 = vector.shape_cast %mul3A_470 : vector<16xf32> to vector<1x16xf32>
      tpu.vector_store %arg15[%swap3A_471, %swap3A_472], %swap3A_475 {strides = array<i32>} : memref<64x128xf32, #tpu.memory_space<vmem>>, vector<1x16xf32>,
      %scan3A_476 = arith.constant 0 : i32
      scf.yield %scan3A_476 : i32
    }
    %scan3A_136 = arith.constant 64 : i32
    %dma_start3A_137 = arith.constant 0 : i32
    %dma_start3A_138 = tpu.memref_slice %arg5[%add3A_116, %dma_start3A_137] : memref<16384x128xf32, #tpu.memory_space<hbm>> -> memref<64x128xf32, #tpu.memory_space<hbm>>
    %dma_start3A_139 = arith.constant 0 : i32
    %dma_start3A_140 = tpu.memref_slice %arg5[%add3A_116, %dma_start3A_139] : memref<16384x128xf32, #tpu.memory_space<hbm>> -> memref<64x128xf32, #tpu.memory_space<hbm>>
    tpu.enqueue_dma source(%arg15 : memref<64x128xf32, #tpu.memory_space<vmem>>) target(%dma_start3A_140 : memref<64x128xf32, #tpu.memory_space<hbm>>) target_semaphore(%arg40 : memref<!tpu.dma_semaphore, #tpu.memory_space<semaphore_mem>>)
    %add3A_141 = arith.constant 448 : i32
    %add3A_142 = arith.addi %mul3A_2, %add3A_141 : i32
    %dma_wait3A_143 = arith.constant 0 : i32
    %dma_wait3A_144 = tpu.memref_slice %arg6[%add3A_116, %dma_wait3A_143] : memref<16384x128xf32, #tpu.memory_space<hbm>> -> memref<64x128xf32, #tpu.memory_space<hbm>>
    %dma_wait3A_145 = arith.constant 0 : i32
    %dma_wait3A_146 = tpu.memref_slice %arg6[%add3A_116, %dma_wait3A_145] : memref<16384x128xf32, #tpu.memory_space<hbm>> -> memref<64x128xf32, #tpu.memory_space<hbm>>
    tpu.wait_dma2 semaphore(%arg34 : memref<!tpu.dma_semaphore, #tpu.memory_space<semaphore_mem>>) src(%arg9 : memref<64x128xf32, #tpu.memory_space<vmem>>) dst(%dma_wait3A_146 : memref<64x128xf32, #tpu.memory_space<hbm>>)
    %dma_start3A_147 = arith.constant 448 : i32
    %dma_start3A_148 = tpu.memref_slice %arg7[%dma_start3A_147] : memref<512xi32, #tpu.memory_space<vmem>> -> memref<64xi32, #tpu.memory_space<vmem>>
    %dma_start3A_149 = arith.constant 0 : i32
    %dma_start3A_150 = arith.constant 0 : i32
    %dma_start3A_151 = tpu.memref_slice %arg4[%dma_start3A_149, %dma_start3A_150] : memref<100000x128xf32, #tpu.memory_space<hbm>> -> memref<100000x128xf32, #tpu.memory_space<hbm>>
    tpu.enqueue_indirect_dma source(%dma_start3A_151 : memref<100000x128xf32, #tpu.memory_space<hbm>>) target(%arg9 : memref<64x128xf32, #tpu.memory_space<vmem>>) offsets(%dma_start3A_148 : memref<64xi32, #tpu.memory_space<vmem>>) semaphore(%arg22 : memref<!tpu.dma_semaphore, #tpu.memory_space<semaphore_mem>>)
    %dma_wait3A_152 = arith.constant 0 : i32
    %dma_wait3A_153 = tpu.memref_slice %arg5[%add3A_116, %dma_wait3A_152] : memref<16384x128xf32, #tpu.memory_space<hbm>> -> memref<64x128xf32, #tpu.memory_space<hbm>>
    %dma_wait3A_154 = arith.constant 0 : i32
    %dma_wait3A_155 = tpu.memref_slice %arg5[%add3A_116, %dma_wait3A_154] : memref<16384x128xf32, #tpu.memory_space<hbm>> -> memref<64x128xf32, #tpu.memory_space<hbm>>
    tpu.wait_dma2 semaphore(%arg40 : memref<!tpu.dma_semaphore, #tpu.memory_space<semaphore_mem>>) src(%arg15 : memref<64x128xf32, #tpu.memory_space<vmem>>) dst(%dma_wait3A_155 : memref<64x128xf32, #tpu.memory_space<hbm>>)
    %dma_start3A_156 = arith.constant 0 : i32
    %dma_start3A_157 = tpu.memref_slice %arg3[%add3A_142, %dma_start3A_156] : memref<16384x128xf32, #tpu.memory_space<hbm>> -> memref<64x128xf32, #tpu.memory_space<hbm>>
    %dma_start3A_158 = arith.constant 0 : i32
    %dma_start3A_159 = tpu.memref_slice %arg3[%add3A_142, %dma_start3A_158] : memref<16384x128xf32, #tpu.memory_space<hbm>> -> memref<64x128xf32, #tpu.memory_space<hbm>>
    tpu.enqueue_dma source(%dma_start3A_159 : memref<64x128xf32, #tpu.memory_space<hbm>>) target(%arg15 : memref<64x128xf32, #tpu.memory_space<vmem>>) target_semaphore(%arg28 : memref<!tpu.dma_semaphore, #tpu.memory_space<semaphore_mem>>)
    %add3A_160 = arith.constant 128 : i32
    %add3A_161 = arith.addi %mul3A_2, %add3A_160 : i32
    %dma_wait3A_162 = arith.constant 128 : i32
    %dma_wait3A_163 = tpu.memref_slice %arg7[%dma_wait3A_162] : memref<512xi32, #tpu.memory_space<vmem>> -> memref<64xi32, #tpu.memory_space<vmem>>
    %dma_wait3A_164 = arith.constant 0 : i32
    %dma_wait3A_165 = arith.constant 0 : i32
    %dma_wait3A_166 = tpu.memref_slice %arg4[%dma_wait3A_164, %dma_wait3A_165] : memref<100000x128xf32, #tpu.memory_space<hbm>> -> memref<100000x128xf32, #tpu.memory_space<hbm>>
    tpu.wait_indirect_dma semaphore(%arg23 : memref<!tpu.dma_semaphore, #tpu.memory_space<semaphore_mem>>) src(%dma_wait3A_166 : memref<100000x128xf32, #tpu.memory_space<hbm>>) dst(%arg10 : memref<64x128xf32, #tpu.memory_space<vmem>>)
    %dma_start3A_167 = arith.constant 0 : i32
    %dma_start3A_168 = tpu.memref_slice %arg6[%add3A_161, %dma_start3A_167] : memref<16384x128xf32, #tpu.memory_space<hbm>> -> memref<64x128xf32, #tpu.memory_space<hbm>>
    %dma_start3A_169 = arith.constant 0 : i32
    %dma_start3A_170 = tpu.memref_slice %arg6[%add3A_161, %dma_start3A_169] : memref<16384x128xf32, #tpu.memory_space<hbm>> -> memref<64x128xf32, #tpu.memory_space<hbm>>
    tpu.enqueue_dma source(%arg10 : memref<64x128xf32, #tpu.memory_space<vmem>>) target(%dma_start3A_170 : memref<64x128xf32, #tpu.memory_space<hbm>>) target_semaphore(%arg35 : memref<!tpu.dma_semaphore, #tpu.memory_space<semaphore_mem>>)
    %dma_wait3A_171 = arith.constant 0 : i32
    %dma_wait3A_172 = tpu.memref_slice %arg3[%add3A_28, %dma_wait3A_171] : memref<16384x128xf32, #tpu.memory_space<hbm>> -> memref<64x128xf32, #tpu.memory_space<hbm>>
    %dma_wait3A_173 = arith.constant 0 : i32
    %dma_wait3A_174 = tpu.memref_slice %arg3[%add3A_28, %dma_wait3A_173] : memref<16384x128xf32, #tpu.memory_space<hbm>> -> memref<64x128xf32, #tpu.memory_space<hbm>>
    tpu.wait_dma2 semaphore(%arg29 : memref<!tpu.dma_semaphore, #tpu.memory_space<semaphore_mem>>) src(%dma_wait3A_174 : memref<64x128xf32, #tpu.memory_space<hbm>>) dst(%arg16 : memref<64x128xf32, #tpu.memory_space<vmem>>)
    %scan3A_175 = arith.constant 0 : i32
    %scan3A_176 = arith.constant 0 : i32
    %scan3A_177 = arith.constant 64 : i32
    %scan3A_178 = arith.addi %scan3A_176, %scan3A_177 : i32
    %scan3A_179 = arith.constant 1 : i32
    %scan3A_180 = scf.for %scan3A_364 = %scan3A_176 to %scan3A_178 step %scan3A_179 iter_args(%scan3A_365 = %scan3A_175) -> (i32)  : i32 {
      %get3A = arith.index_cast %scan3A_364 : i32 to index
      %get3A_366 = arith.constant 0 : index
      %get3A_367 = tpu.vector_load %arg16[%get3A, %get3A_366] {strides = array<i32>} : memref<64x128xf32, #tpu.memory_space<vmem>>, vector<1x16xf32>,
      %get3A_368 = vector.shape_cast %get3A_367 : vector<1x16xf32> to vector<16xf32>
      %get3A_369 = arith.index_cast %scan3A_364 : i32 to index
      %get3A_370 = arith.constant 0 : index
      %get3A_371 = tpu.vector_load %arg10[%get3A_369, %get3A_370] {strides = array<i32>} : memref<64x128xf32, #tpu.memory_space<vmem>>, vector<1x16xf32>,
      %get3A_372 = vector.shape_cast %get3A_371 : vector<1x16xf32> to vector<16xf32>
      %mul3A_373 = arith.mulf %get3A_368, %get3A_372 : vector<16xf32>
      %swap3A = arith.index_cast %scan3A_364 : i32 to index
      %swap3A_374 = arith.constant 0 : index
      %swap3A_375 = tpu.vector_load %arg16[%swap3A, %swap3A_374] {strides = array<i32>} : memref<64x128xf32, #tpu.memory_space<vmem>>, vector<1x16xf32>,
      %swap3A_376 = vector.shape_cast %swap3A_375 : vector<1x16xf32> to vector<16xf32>
      %swap3A_377 = vector.shape_cast %mul3A_373 : vector<16xf32> to vector<1x16xf32>
      tpu.vector_store %arg16[%swap3A, %swap3A_374], %swap3A_377 {strides = array<i32>} : memref<64x128xf32, #tpu.memory_space<vmem>>, vector<1x16xf32>,
      %get3A_378 = arith.index_cast %scan3A_364 : i32 to index
      %get3A_379 = arith.constant 16 : index
      %get3A_380 = tpu.vector_load %arg16[%get3A_378, %get3A_379] {strides = array<i32>} : memref<64x128xf32, #tpu.memory_space<vmem>>, vector<1x16xf32>,
      %get3A_381 = vector.shape_cast %get3A_380 : vector<1x16xf32> to vector<16xf32>
      %get3A_382 = arith.index_cast %scan3A_364 : i32 to index
      %get3A_383 = arith.constant 16 : index
      %get3A_384 = tpu.vector_load %arg10[%get3A_382, %get3A_383] {strides = array<i32>} : memref<64x128xf32, #tpu.memory_space<vmem>>, vector<1x16xf32>,
      %get3A_385 = vector.shape_cast %get3A_384 : vector<1x16xf32> to vector<16xf32>
      %mul3A_386 = arith.mulf %get3A_381, %get3A_385 : vector<16xf32>
      %swap3A_387 = arith.index_cast %scan3A_364 : i32 to index
      %swap3A_388 = arith.constant 16 : index
      %swap3A_389 = tpu.vector_load %arg16[%swap3A_387, %swap3A_388] {strides = array<i32>} : memref<64x128xf32, #tpu.memory_space<vmem>>, vector<1x16xf32>,
      %swap3A_390 = vector.shape_cast %swap3A_389 : vector<1x16xf32> to vector<16xf32>
      %swap3A_391 = vector.shape_cast %mul3A_386 : vector<16xf32> to vector<1x16xf32>
      tpu.vector_store %arg16[%swap3A_387, %swap3A_388], %swap3A_391 {strides = array<i32>} : memref<64x128xf32, #tpu.memory_space<vmem>>, vector<1x16xf32>,
      %get3A_392 = arith.index_cast %scan3A_364 : i32 to index
      %get3A_393 = arith.constant 32 : index
      %get3A_394 = tpu.vector_load %arg16[%get3A_392, %get3A_393] {strides = array<i32>} : memref<64x128xf32, #tpu.memory_space<vmem>>, vector<1x16xf32>,
      %get3A_395 = vector.shape_cast %get3A_394 : vector<1x16xf32> to vector<16xf32>
      %get3A_396 = arith.index_cast %scan3A_364 : i32 to index
      %get3A_397 = arith.constant 32 : index
      %get3A_398 = tpu.vector_load %arg10[%get3A_396, %get3A_397] {strides = array<i32>} : memref<64x128xf32, #tpu.memory_space<vmem>>, vector<1x16xf32>,
      %get3A_399 = vector.shape_cast %get3A_398 : vector<1x16xf32> to vector<16xf32>
      %mul3A_400 = arith.mulf %get3A_395, %get3A_399 : vector<16xf32>
      %swap3A_401 = arith.index_cast %scan3A_364 : i32 to index
      %swap3A_402 = arith.constant 32 : index
      %swap3A_403 = tpu.vector_load %arg16[%swap3A_401, %swap3A_402] {strides = array<i32>} : memref<64x128xf32, #tpu.memory_space<vmem>>, vector<1x16xf32>,
      %swap3A_404 = vector.shape_cast %swap3A_403 : vector<1x16xf32> to vector<16xf32>
      %swap3A_405 = vector.shape_cast %mul3A_400 : vector<16xf32> to vector<1x16xf32>
      tpu.vector_store %arg16[%swap3A_401, %swap3A_402], %swap3A_405 {strides = array<i32>} : memref<64x128xf32, #tpu.memory_space<vmem>>, vector<1x16xf32>,
      %get3A_406 = arith.index_cast %scan3A_364 : i32 to index
      %get3A_407 = arith.constant 48 : index
      %get3A_408 = tpu.vector_load %arg16[%get3A_406, %get3A_407] {strides = array<i32>} : memref<64x128xf32, #tpu.memory_space<vmem>>, vector<1x16xf32>,
      %get3A_409 = vector.shape_cast %get3A_408 : vector<1x16xf32> to vector<16xf32>
      %get3A_410 = arith.index_cast %scan3A_364 : i32 to index
      %get3A_411 = arith.constant 48 : index
      %get3A_412 = tpu.vector_load %arg10[%get3A_410, %get3A_411] {strides = array<i32>} : memref<64x128xf32, #tpu.memory_space<vmem>>, vector<1x16xf32>,
      %get3A_413 = vector.shape_cast %get3A_412 : vector<1x16xf32> to vector<16xf32>
      %mul3A_414 = arith.mulf %get3A_409, %get3A_413 : vector<16xf32>
      %swap3A_415 = arith.index_cast %scan3A_364 : i32 to index
      %swap3A_416 = arith.constant 48 : index
      %swap3A_417 = tpu.vector_load %arg16[%swap3A_415, %swap3A_416] {strides = array<i32>} : memref<64x128xf32, #tpu.memory_space<vmem>>, vector<1x16xf32>,
      %swap3A_418 = vector.shape_cast %swap3A_417 : vector<1x16xf32> to vector<16xf32>
      %swap3A_419 = vector.shape_cast %mul3A_414 : vector<16xf32> to vector<1x16xf32>
      tpu.vector_store %arg16[%swap3A_415, %swap3A_416], %swap3A_419 {strides = array<i32>} : memref<64x128xf32, #tpu.memory_space<vmem>>, vector<1x16xf32>,
      %get3A_420 = arith.index_cast %scan3A_364 : i32 to index
      %get3A_421 = arith.constant 64 : index
      %get3A_422 = tpu.vector_load %arg16[%get3A_420, %get3A_421] {strides = array<i32>} : memref<64x128xf32, #tpu.memory_space<vmem>>, vector<1x16xf32>,
      %get3A_423 = vector.shape_cast %get3A_422 : vector<1x16xf32> to vector<16xf32>
      %get3A_424 = arith.index_cast %scan3A_364 : i32 to index
      %get3A_425 = arith.constant 64 : index
      %get3A_426 = tpu.vector_load %arg10[%get3A_424, %get3A_425] {strides = array<i32>} : memref<64x128xf32, #tpu.memory_space<vmem>>, vector<1x16xf32>,
      %get3A_427 = vector.shape_cast %get3A_426 : vector<1x16xf32> to vector<16xf32>
      %mul3A_428 = arith.mulf %get3A_423, %get3A_427 : vector<16xf32>
      %swap3A_429 = arith.index_cast %scan3A_364 : i32 to index
      %swap3A_430 = arith.constant 64 : index
      %swap3A_431 = tpu.vector_load %arg16[%swap3A_429, %swap3A_430] {strides = array<i32>} : memref<64x128xf32, #tpu.memory_space<vmem>>, vector<1x16xf32>,
      %swap3A_432 = vector.shape_cast %swap3A_431 : vector<1x16xf32> to vector<16xf32>
      %swap3A_433 = vector.shape_cast %mul3A_428 : vector<16xf32> to vector<1x16xf32>
      tpu.vector_store %arg16[%swap3A_429, %swap3A_430], %swap3A_433 {strides = array<i32>} : memref<64x128xf32, #tpu.memory_space<vmem>>, vector<1x16xf32>,
      %get3A_434 = arith.index_cast %scan3A_364 : i32 to index
      %get3A_435 = arith.constant 80 : index
      %get3A_436 = tpu.vector_load %arg16[%get3A_434, %get3A_435] {strides = array<i32>} : memref<64x128xf32, #tpu.memory_space<vmem>>, vector<1x16xf32>,
      %get3A_437 = vector.shape_cast %get3A_436 : vector<1x16xf32> to vector<16xf32>
      %get3A_438 = arith.index_cast %scan3A_364 : i32 to index
      %get3A_439 = arith.constant 80 : index
      %get3A_440 = tpu.vector_load %arg10[%get3A_438, %get3A_439] {strides = array<i32>} : memref<64x128xf32, #tpu.memory_space<vmem>>, vector<1x16xf32>,
      %get3A_441 = vector.shape_cast %get3A_440 : vector<1x16xf32> to vector<16xf32>
      %mul3A_442 = arith.mulf %get3A_437, %get3A_441 : vector<16xf32>
      %swap3A_443 = arith.index_cast %scan3A_364 : i32 to index
      %swap3A_444 = arith.constant 80 : index
      %swap3A_445 = tpu.vector_load %arg16[%swap3A_443, %swap3A_444] {strides = array<i32>} : memref<64x128xf32, #tpu.memory_space<vmem>>, vector<1x16xf32>,
      %swap3A_446 = vector.shape_cast %swap3A_445 : vector<1x16xf32> to vector<16xf32>
      %swap3A_447 = vector.shape_cast %mul3A_442 : vector<16xf32> to vector<1x16xf32>
      tpu.vector_store %arg16[%swap3A_443, %swap3A_444], %swap3A_447 {strides = array<i32>} : memref<64x128xf32, #tpu.memory_space<vmem>>, vector<1x16xf32>,
      %get3A_448 = arith.index_cast %scan3A_364 : i32 to index
      %get3A_449 = arith.constant 96 : index
      %get3A_450 = tpu.vector_load %arg16[%get3A_448, %get3A_449] {strides = array<i32>} : memref<64x128xf32, #tpu.memory_space<vmem>>, vector<1x16xf32>,
      %get3A_451 = vector.shape_cast %get3A_450 : vector<1x16xf32> to vector<16xf32>
      %get3A_452 = arith.index_cast %scan3A_364 : i32 to index
      %get3A_453 = arith.constant 96 : index
      %get3A_454 = tpu.vector_load %arg10[%get3A_452, %get3A_453] {strides = array<i32>} : memref<64x128xf32, #tpu.memory_space<vmem>>, vector<1x16xf32>,
      %get3A_455 = vector.shape_cast %get3A_454 : vector<1x16xf32> to vector<16xf32>
      %mul3A_456 = arith.mulf %get3A_451, %get3A_455 : vector<16xf32>
      %swap3A_457 = arith.index_cast %scan3A_364 : i32 to index
      %swap3A_458 = arith.constant 96 : index
      %swap3A_459 = tpu.vector_load %arg16[%swap3A_457, %swap3A_458] {strides = array<i32>} : memref<64x128xf32, #tpu.memory_space<vmem>>, vector<1x16xf32>,
      %swap3A_460 = vector.shape_cast %swap3A_459 : vector<1x16xf32> to vector<16xf32>
      %swap3A_461 = vector.shape_cast %mul3A_456 : vector<16xf32> to vector<1x16xf32>
      tpu.vector_store %arg16[%swap3A_457, %swap3A_458], %swap3A_461 {strides = array<i32>} : memref<64x128xf32, #tpu.memory_space<vmem>>, vector<1x16xf32>,
      %get3A_462 = arith.index_cast %scan3A_364 : i32 to index
      %get3A_463 = arith.constant 112 : index
      %get3A_464 = tpu.vector_load %arg16[%get3A_462, %get3A_463] {strides = array<i32>} : memref<64x128xf32, #tpu.memory_space<vmem>>, vector<1x16xf32>,
      %get3A_465 = vector.shape_cast %get3A_464 : vector<1x16xf32> to vector<16xf32>
      %get3A_466 = arith.index_cast %scan3A_364 : i32 to index
      %get3A_467 = arith.constant 112 : index
      %get3A_468 = tpu.vector_load %arg10[%get3A_466, %get3A_467] {strides = array<i32>} : memref<64x128xf32, #tpu.memory_space<vmem>>, vector<1x16xf32>,
      %get3A_469 = vector.shape_cast %get3A_468 : vector<1x16xf32> to vector<16xf32>
      %mul3A_470 = arith.mulf %get3A_465, %get3A_469 : vector<16xf32>
      %swap3A_471 = arith.index_cast %scan3A_364 : i32 to index
      %swap3A_472 = arith.constant 112 : index
      %swap3A_473 = tpu.vector_load %arg16[%swap3A_471, %swap3A_472] {strides = array<i32>} : memref<64x128xf32, #tpu.memory_space<vmem>>, vector<1x16xf32>,
      %swap3A_474 = vector.shape_cast %swap3A_473 : vector<1x16xf32> to vector<16xf32>
      %swap3A_475 = vector.shape_cast %mul3A_470 : vector<16xf32> to vector<1x16xf32>
      tpu.vector_store %arg16[%swap3A_471, %swap3A_472], %swap3A_475 {strides = array<i32>} : memref<64x128xf32, #tpu.memory_space<vmem>>, vector<1x16xf32>,
      %scan3A_476 = arith.constant 0 : i32
      scf.yield %scan3A_476 : i32
    }
    %scan3A_181 = arith.constant 64 : i32
    %dma_start3A_182 = arith.constant 0 : i32
    %dma_start3A_183 = tpu.memref_slice %arg5[%add3A_161, %dma_start3A_182] : memref<16384x128xf32, #tpu.memory_space<hbm>> -> memref<64x128xf32, #tpu.memory_space<hbm>>
    %dma_start3A_184 = arith.constant 0 : i32
    %dma_start3A_185 = tpu.memref_slice %arg5[%add3A_161, %dma_start3A_184] : memref<16384x128xf32, #tpu.memory_space<hbm>> -> memref<64x128xf32, #tpu.memory_space<hbm>>
    tpu.enqueue_dma source(%arg16 : memref<64x128xf32, #tpu.memory_space<vmem>>) target(%dma_start3A_185 : memref<64x128xf32, #tpu.memory_space<hbm>>) target_semaphore(%arg41 : memref<!tpu.dma_semaphore, #tpu.memory_space<semaphore_mem>>)
    %add3A_186 = arith.constant 192 : i32
    %add3A_187 = arith.addi %mul3A_2, %add3A_186 : i32
    %dma_wait3A_188 = arith.constant 192 : i32
    %dma_wait3A_189 = tpu.memref_slice %arg7[%dma_wait3A_188] : memref<512xi32, #tpu.memory_space<vmem>> -> memref<64xi32, #tpu.memory_space<vmem>>
    %dma_wait3A_190 = arith.constant 0 : i32
    %dma_wait3A_191 = arith.constant 0 : i32
    %dma_wait3A_192 = tpu.memref_slice %arg4[%dma_wait3A_190, %dma_wait3A_191] : memref<100000x128xf32, #tpu.memory_space<hbm>> -> memref<100000x128xf32, #tpu.memory_space<hbm>>
    tpu.wait_indirect_dma semaphore(%arg24 : memref<!tpu.dma_semaphore, #tpu.memory_space<semaphore_mem>>) src(%dma_wait3A_192 : memref<100000x128xf32, #tpu.memory_space<hbm>>) dst(%arg11 : memref<64x128xf32, #tpu.memory_space<vmem>>)
    %dma_start3A_193 = arith.constant 0 : i32
    %dma_start3A_194 = tpu.memref_slice %arg6[%add3A_187, %dma_start3A_193] : memref<16384x128xf32, #tpu.memory_space<hbm>> -> memref<64x128xf32, #tpu.memory_space<hbm>>
    %dma_start3A_195 = arith.constant 0 : i32
    %dma_start3A_196 = tpu.memref_slice %arg6[%add3A_187, %dma_start3A_195] : memref<16384x128xf32, #tpu.memory_space<hbm>> -> memref<64x128xf32, #tpu.memory_space<hbm>>
    tpu.enqueue_dma source(%arg11 : memref<64x128xf32, #tpu.memory_space<vmem>>) target(%dma_start3A_196 : memref<64x128xf32, #tpu.memory_space<hbm>>) target_semaphore(%arg36 : memref<!tpu.dma_semaphore, #tpu.memory_space<semaphore_mem>>)
    %dma_wait3A_197 = arith.constant 0 : i32
    %dma_wait3A_198 = tpu.memref_slice %arg3[%add3A_39, %dma_wait3A_197] : memref<16384x128xf32, #tpu.memory_space<hbm>> -> memref<64x128xf32, #tpu.memory_space<hbm>>
    %dma_wait3A_199 = arith.constant 0 : i32
    %dma_wait3A_200 = tpu.memref_slice %arg3[%add3A_39, %dma_wait3A_199] : memref<16384x128xf32, #tpu.memory_space<hbm>> -> memref<64x128xf32, #tpu.memory_space<hbm>>
    tpu.wait_dma2 semaphore(%arg30 : memref<!tpu.dma_semaphore, #tpu.memory_space<semaphore_mem>>) src(%dma_wait3A_200 : memref<64x128xf32, #tpu.memory_space<hbm>>) dst(%arg17 : memref<64x128xf32, #tpu.memory_space<vmem>>)
    %scan3A_201 = arith.constant 0 : i32
    %scan3A_202 = arith.constant 0 : i32
    %scan3A_203 = arith.constant 64 : i32
    %scan3A_204 = arith.addi %scan3A_202, %scan3A_203 : i32
    %scan3A_205 = arith.constant 1 : i32
    %scan3A_206 = scf.for %scan3A_364 = %scan3A_202 to %scan3A_204 step %scan3A_205 iter_args(%scan3A_365 = %scan3A_201) -> (i32)  : i32 {
      %get3A = arith.index_cast %scan3A_364 : i32 to index
      %get3A_366 = arith.constant 0 : index
      %get3A_367 = tpu.vector_load %arg17[%get3A, %get3A_366] {strides = array<i32>} : memref<64x128xf32, #tpu.memory_space<vmem>>, vector<1x16xf32>,
      %get3A_368 = vector.shape_cast %get3A_367 : vector<1x16xf32> to vector<16xf32>
      %get3A_369 = arith.index_cast %scan3A_364 : i32 to index
      %get3A_370 = arith.constant 0 : index
      %get3A_371 = tpu.vector_load %arg11[%get3A_369, %get3A_370] {strides = array<i32>} : memref<64x128xf32, #tpu.memory_space<vmem>>, vector<1x16xf32>,
      %get3A_372 = vector.shape_cast %get3A_371 : vector<1x16xf32> to vector<16xf32>
      %mul3A_373 = arith.mulf %get3A_368, %get3A_372 : vector<16xf32>
      %swap3A = arith.index_cast %scan3A_364 : i32 to index
      %swap3A_374 = arith.constant 0 : index
      %swap3A_375 = tpu.vector_load %arg17[%swap3A, %swap3A_374] {strides = array<i32>} : memref<64x128xf32, #tpu.memory_space<vmem>>, vector<1x16xf32>,
      %swap3A_376 = vector.shape_cast %swap3A_375 : vector<1x16xf32> to vector<16xf32>
      %swap3A_377 = vector.shape_cast %mul3A_373 : vector<16xf32> to vector<1x16xf32>
      tpu.vector_store %arg17[%swap3A, %swap3A_374], %swap3A_377 {strides = array<i32>} : memref<64x128xf32, #tpu.memory_space<vmem>>, vector<1x16xf32>,
      %get3A_378 = arith.index_cast %scan3A_364 : i32 to index
      %get3A_379 = arith.constant 16 : index
      %get3A_380 = tpu.vector_load %arg17[%get3A_378, %get3A_379] {strides = array<i32>} : memref<64x128xf32, #tpu.memory_space<vmem>>, vector<1x16xf32>,
      %get3A_381 = vector.shape_cast %get3A_380 : vector<1x16xf32> to vector<16xf32>
      %get3A_382 = arith.index_cast %scan3A_364 : i32 to index
      %get3A_383 = arith.constant 16 : index
      %get3A_384 = tpu.vector_load %arg11[%get3A_382, %get3A_383] {strides = array<i32>} : memref<64x128xf32, #tpu.memory_space<vmem>>, vector<1x16xf32>,
      %get3A_385 = vector.shape_cast %get3A_384 : vector<1x16xf32> to vector<16xf32>
      %mul3A_386 = arith.mulf %get3A_381, %get3A_385 : vector<16xf32>
      %swap3A_387 = arith.index_cast %scan3A_364 : i32 to index
      %swap3A_388 = arith.constant 16 : index
      %swap3A_389 = tpu.vector_load %arg17[%swap3A_387, %swap3A_388] {strides = array<i32>} : memref<64x128xf32, #tpu.memory_space<vmem>>, vector<1x16xf32>,
      %swap3A_390 = vector.shape_cast %swap3A_389 : vector<1x16xf32> to vector<16xf32>
      %swap3A_391 = vector.shape_cast %mul3A_386 : vector<16xf32> to vector<1x16xf32>
      tpu.vector_store %arg17[%swap3A_387, %swap3A_388], %swap3A_391 {strides = array<i32>} : memref<64x128xf32, #tpu.memory_space<vmem>>, vector<1x16xf32>,
      %get3A_392 = arith.index_cast %scan3A_364 : i32 to index
      %get3A_393 = arith.constant 32 : index
      %get3A_394 = tpu.vector_load %arg17[%get3A_392, %get3A_393] {strides = array<i32>} : memref<64x128xf32, #tpu.memory_space<vmem>>, vector<1x16xf32>,
      %get3A_395 = vector.shape_cast %get3A_394 : vector<1x16xf32> to vector<16xf32>
      %get3A_396 = arith.index_cast %scan3A_364 : i32 to index
      %get3A_397 = arith.constant 32 : index
      %get3A_398 = tpu.vector_load %arg11[%get3A_396, %get3A_397] {strides = array<i32>} : memref<64x128xf32, #tpu.memory_space<vmem>>, vector<1x16xf32>,
      %get3A_399 = vector.shape_cast %get3A_398 : vector<1x16xf32> to vector<16xf32>
      %mul3A_400 = arith.mulf %get3A_395, %get3A_399 : vector<16xf32>
      %swap3A_401 = arith.index_cast %scan3A_364 : i32 to index
      %swap3A_402 = arith.constant 32 : index
      %swap3A_403 = tpu.vector_load %arg17[%swap3A_401, %swap3A_402] {strides = array<i32>} : memref<64x128xf32, #tpu.memory_space<vmem>>, vector<1x16xf32>,
      %swap3A_404 = vector.shape_cast %swap3A_403 : vector<1x16xf32> to vector<16xf32>
      %swap3A_405 = vector.shape_cast %mul3A_400 : vector<16xf32> to vector<1x16xf32>
      tpu.vector_store %arg17[%swap3A_401, %swap3A_402], %swap3A_405 {strides = array<i32>} : memref<64x128xf32, #tpu.memory_space<vmem>>, vector<1x16xf32>,
      %get3A_406 = arith.index_cast %scan3A_364 : i32 to index
      %get3A_407 = arith.constant 48 : index
      %get3A_408 = tpu.vector_load %arg17[%get3A_406, %get3A_407] {strides = array<i32>} : memref<64x128xf32, #tpu.memory_space<vmem>>, vector<1x16xf32>,
      %get3A_409 = vector.shape_cast %get3A_408 : vector<1x16xf32> to vector<16xf32>
      %get3A_410 = arith.index_cast %scan3A_364 : i32 to index
      %get3A_411 = arith.constant 48 : index
      %get3A_412 = tpu.vector_load %arg11[%get3A_410, %get3A_411] {strides = array<i32>} : memref<64x128xf32, #tpu.memory_space<vmem>>, vector<1x16xf32>,
      %get3A_413 = vector.shape_cast %get3A_412 : vector<1x16xf32> to vector<16xf32>
      %mul3A_414 = arith.mulf %get3A_409, %get3A_413 : vector<16xf32>
      %swap3A_415 = arith.index_cast %scan3A_364 : i32 to index
      %swap3A_416 = arith.constant 48 : index
      %swap3A_417 = tpu.vector_load %arg17[%swap3A_415, %swap3A_416] {strides = array<i32>} : memref<64x128xf32, #tpu.memory_space<vmem>>, vector<1x16xf32>,
      %swap3A_418 = vector.shape_cast %swap3A_417 : vector<1x16xf32> to vector<16xf32>
      %swap3A_419 = vector.shape_cast %mul3A_414 : vector<16xf32> to vector<1x16xf32>
      tpu.vector_store %arg17[%swap3A_415, %swap3A_416], %swap3A_419 {strides = array<i32>} : memref<64x128xf32, #tpu.memory_space<vmem>>, vector<1x16xf32>,
      %get3A_420 = arith.index_cast %scan3A_364 : i32 to index
      %get3A_421 = arith.constant 64 : index
      %get3A_422 = tpu.vector_load %arg17[%get3A_420, %get3A_421] {strides = array<i32>} : memref<64x128xf32, #tpu.memory_space<vmem>>, vector<1x16xf32>,
      %get3A_423 = vector.shape_cast %get3A_422 : vector<1x16xf32> to vector<16xf32>
      %get3A_424 = arith.index_cast %scan3A_364 : i32 to index
      %get3A_425 = arith.constant 64 : index
      %get3A_426 = tpu.vector_load %arg11[%get3A_424, %get3A_425] {strides = array<i32>} : memref<64x128xf32, #tpu.memory_space<vmem>>, vector<1x16xf32>,
      %get3A_427 = vector.shape_cast %get3A_426 : vector<1x16xf32> to vector<16xf32>
      %mul3A_428 = arith.mulf %get3A_423, %get3A_427 : vector<16xf32>
      %swap3A_429 = arith.index_cast %scan3A_364 : i32 to index
      %swap3A_430 = arith.constant 64 : index
      %swap3A_431 = tpu.vector_load %arg17[%swap3A_429, %swap3A_430] {strides = array<i32>} : memref<64x128xf32, #tpu.memory_space<vmem>>, vector<1x16xf32>,
      %swap3A_432 = vector.shape_cast %swap3A_431 : vector<1x16xf32> to vector<16xf32>
      %swap3A_433 = vector.shape_cast %mul3A_428 : vector<16xf32> to vector<1x16xf32>
      tpu.vector_store %arg17[%swap3A_429, %swap3A_430], %swap3A_433 {strides = array<i32>} : memref<64x128xf32, #tpu.memory_space<vmem>>, vector<1x16xf32>,
      %get3A_434 = arith.index_cast %scan3A_364 : i32 to index
      %get3A_435 = arith.constant 80 : index
      %get3A_436 = tpu.vector_load %arg17[%get3A_434, %get3A_435] {strides = array<i32>} : memref<64x128xf32, #tpu.memory_space<vmem>>, vector<1x16xf32>,
      %get3A_437 = vector.shape_cast %get3A_436 : vector<1x16xf32> to vector<16xf32>
      %get3A_438 = arith.index_cast %scan3A_364 : i32 to index
      %get3A_439 = arith.constant 80 : index
      %get3A_440 = tpu.vector_load %arg11[%get3A_438, %get3A_439] {strides = array<i32>} : memref<64x128xf32, #tpu.memory_space<vmem>>, vector<1x16xf32>,
      %get3A_441 = vector.shape_cast %get3A_440 : vector<1x16xf32> to vector<16xf32>
      %mul3A_442 = arith.mulf %get3A_437, %get3A_441 : vector<16xf32>
      %swap3A_443 = arith.index_cast %scan3A_364 : i32 to index
      %swap3A_444 = arith.constant 80 : index
      %swap3A_445 = tpu.vector_load %arg17[%swap3A_443, %swap3A_444] {strides = array<i32>} : memref<64x128xf32, #tpu.memory_space<vmem>>, vector<1x16xf32>,
      %swap3A_446 = vector.shape_cast %swap3A_445 : vector<1x16xf32> to vector<16xf32>
      %swap3A_447 = vector.shape_cast %mul3A_442 : vector<16xf32> to vector<1x16xf32>
      tpu.vector_store %arg17[%swap3A_443, %swap3A_444], %swap3A_447 {strides = array<i32>} : memref<64x128xf32, #tpu.memory_space<vmem>>, vector<1x16xf32>,
      %get3A_448 = arith.index_cast %scan3A_364 : i32 to index
      %get3A_449 = arith.constant 96 : index
      %get3A_450 = tpu.vector_load %arg17[%get3A_448, %get3A_449] {strides = array<i32>} : memref<64x128xf32, #tpu.memory_space<vmem>>, vector<1x16xf32>,
      %get3A_451 = vector.shape_cast %get3A_450 : vector<1x16xf32> to vector<16xf32>
      %get3A_452 = arith.index_cast %scan3A_364 : i32 to index
      %get3A_453 = arith.constant 96 : index
      %get3A_454 = tpu.vector_load %arg11[%get3A_452, %get3A_453] {strides = array<i32>} : memref<64x128xf32, #tpu.memory_space<vmem>>, vector<1x16xf32>,
      %get3A_455 = vector.shape_cast %get3A_454 : vector<1x16xf32> to vector<16xf32>
      %mul3A_456 = arith.mulf %get3A_451, %get3A_455 : vector<16xf32>
      %swap3A_457 = arith.index_cast %scan3A_364 : i32 to index
      %swap3A_458 = arith.constant 96 : index
      %swap3A_459 = tpu.vector_load %arg17[%swap3A_457, %swap3A_458] {strides = array<i32>} : memref<64x128xf32, #tpu.memory_space<vmem>>, vector<1x16xf32>,
      %swap3A_460 = vector.shape_cast %swap3A_459 : vector<1x16xf32> to vector<16xf32>
      %swap3A_461 = vector.shape_cast %mul3A_456 : vector<16xf32> to vector<1x16xf32>
      tpu.vector_store %arg17[%swap3A_457, %swap3A_458], %swap3A_461 {strides = array<i32>} : memref<64x128xf32, #tpu.memory_space<vmem>>, vector<1x16xf32>,
      %get3A_462 = arith.index_cast %scan3A_364 : i32 to index
      %get3A_463 = arith.constant 112 : index
      %get3A_464 = tpu.vector_load %arg17[%get3A_462, %get3A_463] {strides = array<i32>} : memref<64x128xf32, #tpu.memory_space<vmem>>, vector<1x16xf32>,
      %get3A_465 = vector.shape_cast %get3A_464 : vector<1x16xf32> to vector<16xf32>
      %get3A_466 = arith.index_cast %scan3A_364 : i32 to index
      %get3A_467 = arith.constant 112 : index
      %get3A_468 = tpu.vector_load %arg11[%get3A_466, %get3A_467] {strides = array<i32>} : memref<64x128xf32, #tpu.memory_space<vmem>>, vector<1x16xf32>,
      %get3A_469 = vector.shape_cast %get3A_468 : vector<1x16xf32> to vector<16xf32>
      %mul3A_470 = arith.mulf %get3A_465, %get3A_469 : vector<16xf32>
      %swap3A_471 = arith.index_cast %scan3A_364 : i32 to index
      %swap3A_472 = arith.constant 112 : index
      %swap3A_473 = tpu.vector_load %arg17[%swap3A_471, %swap3A_472] {strides = array<i32>} : memref<64x128xf32, #tpu.memory_space<vmem>>, vector<1x16xf32>,
      %swap3A_474 = vector.shape_cast %swap3A_473 : vector<1x16xf32> to vector<16xf32>
      %swap3A_475 = vector.shape_cast %mul3A_470 : vector<16xf32> to vector<1x16xf32>
      tpu.vector_store %arg17[%swap3A_471, %swap3A_472], %swap3A_475 {strides = array<i32>} : memref<64x128xf32, #tpu.memory_space<vmem>>, vector<1x16xf32>,
      %scan3A_476 = arith.constant 0 : i32
      scf.yield %scan3A_476 : i32
    }
    %scan3A_207 = arith.constant 64 : i32
    %dma_start3A_208 = arith.constant 0 : i32
    %dma_start3A_209 = tpu.memref_slice %arg5[%add3A_187, %dma_start3A_208] : memref<16384x128xf32, #tpu.memory_space<hbm>> -> memref<64x128xf32, #tpu.memory_space<hbm>>
    %dma_start3A_210 = arith.constant 0 : i32
    %dma_start3A_211 = tpu.memref_slice %arg5[%add3A_187, %dma_start3A_210] : memref<16384x128xf32, #tpu.memory_space<hbm>> -> memref<64x128xf32, #tpu.memory_space<hbm>>
    tpu.enqueue_dma source(%arg17 : memref<64x128xf32, #tpu.memory_space<vmem>>) target(%dma_start3A_211 : memref<64x128xf32, #tpu.memory_space<hbm>>) target_semaphore(%arg42 : memref<!tpu.dma_semaphore, #tpu.memory_space<semaphore_mem>>)
    %add3A_212 = arith.constant 256 : i32
    %add3A_213 = arith.addi %mul3A_2, %add3A_212 : i32
    %dma_wait3A_214 = arith.constant 256 : i32
    %dma_wait3A_215 = tpu.memref_slice %arg7[%dma_wait3A_214] : memref<512xi32, #tpu.memory_space<vmem>> -> memref<64xi32, #tpu.memory_space<vmem>>
    %dma_wait3A_216 = arith.constant 0 : i32
    %dma_wait3A_217 = arith.constant 0 : i32
    %dma_wait3A_218 = tpu.memref_slice %arg4[%dma_wait3A_216, %dma_wait3A_217] : memref<100000x128xf32, #tpu.memory_space<hbm>> -> memref<100000x128xf32, #tpu.memory_space<hbm>>
    tpu.wait_indirect_dma semaphore(%arg25 : memref<!tpu.dma_semaphore, #tpu.memory_space<semaphore_mem>>) src(%dma_wait3A_218 : memref<100000x128xf32, #tpu.memory_space<hbm>>) dst(%arg12 : memref<64x128xf32, #tpu.memory_space<vmem>>)
    %dma_start3A_219 = arith.constant 0 : i32
    %dma_start3A_220 = tpu.memref_slice %arg6[%add3A_213, %dma_start3A_219] : memref<16384x128xf32, #tpu.memory_space<hbm>> -> memref<64x128xf32, #tpu.memory_space<hbm>>
    %dma_start3A_221 = arith.constant 0 : i32
    %dma_start3A_222 = tpu.memref_slice %arg6[%add3A_213, %dma_start3A_221] : memref<16384x128xf32, #tpu.memory_space<hbm>> -> memref<64x128xf32, #tpu.memory_space<hbm>>
    tpu.enqueue_dma source(%arg12 : memref<64x128xf32, #tpu.memory_space<vmem>>) target(%dma_start3A_222 : memref<64x128xf32, #tpu.memory_space<hbm>>) target_semaphore(%arg37 : memref<!tpu.dma_semaphore, #tpu.memory_space<semaphore_mem>>)
    %dma_wait3A_223 = arith.constant 0 : i32
    %dma_wait3A_224 = tpu.memref_slice %arg3[%add3A_50, %dma_wait3A_223] : memref<16384x128xf32, #tpu.memory_space<hbm>> -> memref<64x128xf32, #tpu.memory_space<hbm>>
    %dma_wait3A_225 = arith.constant 0 : i32
    %dma_wait3A_226 = tpu.memref_slice %arg3[%add3A_50, %dma_wait3A_225] : memref<16384x128xf32, #tpu.memory_space<hbm>> -> memref<64x128xf32, #tpu.memory_space<hbm>>
    tpu.wait_dma2 semaphore(%arg31 : memref<!tpu.dma_semaphore, #tpu.memory_space<semaphore_mem>>) src(%dma_wait3A_226 : memref<64x128xf32, #tpu.memory_space<hbm>>) dst(%arg18 : memref<64x128xf32, #tpu.memory_space<vmem>>)
    %scan3A_227 = arith.constant 0 : i32
    %scan3A_228 = arith.constant 0 : i32
    %scan3A_229 = arith.constant 64 : i32
    %scan3A_230 = arith.addi %scan3A_228, %scan3A_229 : i32
    %scan3A_231 = arith.constant 1 : i32
    %scan3A_232 = scf.for %scan3A_364 = %scan3A_228 to %scan3A_230 step %scan3A_231 iter_args(%scan3A_365 = %scan3A_227) -> (i32)  : i32 {
      %get3A = arith.index_cast %scan3A_364 : i32 to index
      %get3A_366 = arith.constant 0 : index
      %get3A_367 = tpu.vector_load %arg18[%get3A, %get3A_366] {strides = array<i32>} : memref<64x128xf32, #tpu.memory_space<vmem>>, vector<1x16xf32>,
      %get3A_368 = vector.shape_cast %get3A_367 : vector<1x16xf32> to vector<16xf32>
      %get3A_369 = arith.index_cast %scan3A_364 : i32 to index
      %get3A_370 = arith.constant 0 : index
      %get3A_371 = tpu.vector_load %arg12[%get3A_369, %get3A_370] {strides = array<i32>} : memref<64x128xf32, #tpu.memory_space<vmem>>, vector<1x16xf32>,
      %get3A_372 = vector.shape_cast %get3A_371 : vector<1x16xf32> to vector<16xf32>
      %mul3A_373 = arith.mulf %get3A_368, %get3A_372 : vector<16xf32>
      %swap3A = arith.index_cast %scan3A_364 : i32 to index
      %swap3A_374 = arith.constant 0 : index
      %swap3A_375 = tpu.vector_load %arg18[%swap3A, %swap3A_374] {strides = array<i32>} : memref<64x128xf32, #tpu.memory_space<vmem>>, vector<1x16xf32>,
      %swap3A_376 = vector.shape_cast %swap3A_375 : vector<1x16xf32> to vector<16xf32>
      %swap3A_377 = vector.shape_cast %mul3A_373 : vector<16xf32> to vector<1x16xf32>
      tpu.vector_store %arg18[%swap3A, %swap3A_374], %swap3A_377 {strides = array<i32>} : memref<64x128xf32, #tpu.memory_space<vmem>>, vector<1x16xf32>,
      %get3A_378 = arith.index_cast %scan3A_364 : i32 to index
      %get3A_379 = arith.constant 16 : index
      %get3A_380 = tpu.vector_load %arg18[%get3A_378, %get3A_379] {strides = array<i32>} : memref<64x128xf32, #tpu.memory_space<vmem>>, vector<1x16xf32>,
      %get3A_381 = vector.shape_cast %get3A_380 : vector<1x16xf32> to vector<16xf32>
      %get3A_382 = arith.index_cast %scan3A_364 : i32 to index
      %get3A_383 = arith.constant 16 : index
      %get3A_384 = tpu.vector_load %arg12[%get3A_382, %get3A_383] {strides = array<i32>} : memref<64x128xf32, #tpu.memory_space<vmem>>, vector<1x16xf32>,
      %get3A_385 = vector.shape_cast %get3A_384 : vector<1x16xf32> to vector<16xf32>
      %mul3A_386 = arith.mulf %get3A_381, %get3A_385 : vector<16xf32>
      %swap3A_387 = arith.index_cast %scan3A_364 : i32 to index
      %swap3A_388 = arith.constant 16 : index
      %swap3A_389 = tpu.vector_load %arg18[%swap3A_387, %swap3A_388] {strides = array<i32>} : memref<64x128xf32, #tpu.memory_space<vmem>>, vector<1x16xf32>,
      %swap3A_390 = vector.shape_cast %swap3A_389 : vector<1x16xf32> to vector<16xf32>
      %swap3A_391 = vector.shape_cast %mul3A_386 : vector<16xf32> to vector<1x16xf32>
      tpu.vector_store %arg18[%swap3A_387, %swap3A_388], %swap3A_391 {strides = array<i32>} : memref<64x128xf32, #tpu.memory_space<vmem>>, vector<1x16xf32>,
      %get3A_392 = arith.index_cast %scan3A_364 : i32 to index
      %get3A_393 = arith.constant 32 : index
      %get3A_394 = tpu.vector_load %arg18[%get3A_392, %get3A_393] {strides = array<i32>} : memref<64x128xf32, #tpu.memory_space<vmem>>, vector<1x16xf32>,
      %get3A_395 = vector.shape_cast %get3A_394 : vector<1x16xf32> to vector<16xf32>
      %get3A_396 = arith.index_cast %scan3A_364 : i32 to index
      %get3A_397 = arith.constant 32 : index
      %get3A_398 = tpu.vector_load %arg12[%get3A_396, %get3A_397] {strides = array<i32>} : memref<64x128xf32, #tpu.memory_space<vmem>>, vector<1x16xf32>,
      %get3A_399 = vector.shape_cast %get3A_398 : vector<1x16xf32> to vector<16xf32>
      %mul3A_400 = arith.mulf %get3A_395, %get3A_399 : vector<16xf32>
      %swap3A_401 = arith.index_cast %scan3A_364 : i32 to index
      %swap3A_402 = arith.constant 32 : index
      %swap3A_403 = tpu.vector_load %arg18[%swap3A_401, %swap3A_402] {strides = array<i32>} : memref<64x128xf32, #tpu.memory_space<vmem>>, vector<1x16xf32>,
      %swap3A_404 = vector.shape_cast %swap3A_403 : vector<1x16xf32> to vector<16xf32>
      %swap3A_405 = vector.shape_cast %mul3A_400 : vector<16xf32> to vector<1x16xf32>
      tpu.vector_store %arg18[%swap3A_401, %swap3A_402], %swap3A_405 {strides = array<i32>} : memref<64x128xf32, #tpu.memory_space<vmem>>, vector<1x16xf32>,
      %get3A_406 = arith.index_cast %scan3A_364 : i32 to index
      %get3A_407 = arith.constant 48 : index
      %get3A_408 = tpu.vector_load %arg18[%get3A_406, %get3A_407] {strides = array<i32>} : memref<64x128xf32, #tpu.memory_space<vmem>>, vector<1x16xf32>,
      %get3A_409 = vector.shape_cast %get3A_408 : vector<1x16xf32> to vector<16xf32>
      %get3A_410 = arith.index_cast %scan3A_364 : i32 to index
      %get3A_411 = arith.constant 48 : index
      %get3A_412 = tpu.vector_load %arg12[%get3A_410, %get3A_411] {strides = array<i32>} : memref<64x128xf32, #tpu.memory_space<vmem>>, vector<1x16xf32>,
      %get3A_413 = vector.shape_cast %get3A_412 : vector<1x16xf32> to vector<16xf32>
      %mul3A_414 = arith.mulf %get3A_409, %get3A_413 : vector<16xf32>
      %swap3A_415 = arith.index_cast %scan3A_364 : i32 to index
      %swap3A_416 = arith.constant 48 : index
      %swap3A_417 = tpu.vector_load %arg18[%swap3A_415, %swap3A_416] {strides = array<i32>} : memref<64x128xf32, #tpu.memory_space<vmem>>, vector<1x16xf32>,
      %swap3A_418 = vector.shape_cast %swap3A_417 : vector<1x16xf32> to vector<16xf32>
      %swap3A_419 = vector.shape_cast %mul3A_414 : vector<16xf32> to vector<1x16xf32>
      tpu.vector_store %arg18[%swap3A_415, %swap3A_416], %swap3A_419 {strides = array<i32>} : memref<64x128xf32, #tpu.memory_space<vmem>>, vector<1x16xf32>,
      %get3A_420 = arith.index_cast %scan3A_364 : i32 to index
      %get3A_421 = arith.constant 64 : index
      %get3A_422 = tpu.vector_load %arg18[%get3A_420, %get3A_421] {strides = array<i32>} : memref<64x128xf32, #tpu.memory_space<vmem>>, vector<1x16xf32>,
      %get3A_423 = vector.shape_cast %get3A_422 : vector<1x16xf32> to vector<16xf32>
      %get3A_424 = arith.index_cast %scan3A_364 : i32 to index
      %get3A_425 = arith.constant 64 : index
      %get3A_426 = tpu.vector_load %arg12[%get3A_424, %get3A_425] {strides = array<i32>} : memref<64x128xf32, #tpu.memory_space<vmem>>, vector<1x16xf32>,
      %get3A_427 = vector.shape_cast %get3A_426 : vector<1x16xf32> to vector<16xf32>
      %mul3A_428 = arith.mulf %get3A_423, %get3A_427 : vector<16xf32>
      %swap3A_429 = arith.index_cast %scan3A_364 : i32 to index
      %swap3A_430 = arith.constant 64 : index
      %swap3A_431 = tpu.vector_load %arg18[%swap3A_429, %swap3A_430] {strides = array<i32>} : memref<64x128xf32, #tpu.memory_space<vmem>>, vector<1x16xf32>,
      %swap3A_432 = vector.shape_cast %swap3A_431 : vector<1x16xf32> to vector<16xf32>
      %swap3A_433 = vector.shape_cast %mul3A_428 : vector<16xf32> to vector<1x16xf32>
      tpu.vector_store %arg18[%swap3A_429, %swap3A_430], %swap3A_433 {strides = array<i32>} : memref<64x128xf32, #tpu.memory_space<vmem>>, vector<1x16xf32>,
      %get3A_434 = arith.index_cast %scan3A_364 : i32 to index
      %get3A_435 = arith.constant 80 : index
      %get3A_436 = tpu.vector_load %arg18[%get3A_434, %get3A_435] {strides = array<i32>} : memref<64x128xf32, #tpu.memory_space<vmem>>, vector<1x16xf32>,
      %get3A_437 = vector.shape_cast %get3A_436 : vector<1x16xf32> to vector<16xf32>
      %get3A_438 = arith.index_cast %scan3A_364 : i32 to index
      %get3A_439 = arith.constant 80 : index
      %get3A_440 = tpu.vector_load %arg12[%get3A_438, %get3A_439] {strides = array<i32>} : memref<64x128xf32, #tpu.memory_space<vmem>>, vector<1x16xf32>,
      %get3A_441 = vector.shape_cast %get3A_440 : vector<1x16xf32> to vector<16xf32>
      %mul3A_442 = arith.mulf %get3A_437, %get3A_441 : vector<16xf32>
      %swap3A_443 = arith.index_cast %scan3A_364 : i32 to index
      %swap3A_444 = arith.constant 80 : index
      %swap3A_445 = tpu.vector_load %arg18[%swap3A_443, %swap3A_444] {strides = array<i32>} : memref<64x128xf32, #tpu.memory_space<vmem>>, vector<1x16xf32>,
      %swap3A_446 = vector.shape_cast %swap3A_445 : vector<1x16xf32> to vector<16xf32>
      %swap3A_447 = vector.shape_cast %mul3A_442 : vector<16xf32> to vector<1x16xf32>
      tpu.vector_store %arg18[%swap3A_443, %swap3A_444], %swap3A_447 {strides = array<i32>} : memref<64x128xf32, #tpu.memory_space<vmem>>, vector<1x16xf32>,
      %get3A_448 = arith.index_cast %scan3A_364 : i32 to index
      %get3A_449 = arith.constant 96 : index
      %get3A_450 = tpu.vector_load %arg18[%get3A_448, %get3A_449] {strides = array<i32>} : memref<64x128xf32, #tpu.memory_space<vmem>>, vector<1x16xf32>,
      %get3A_451 = vector.shape_cast %get3A_450 : vector<1x16xf32> to vector<16xf32>
      %get3A_452 = arith.index_cast %scan3A_364 : i32 to index
      %get3A_453 = arith.constant 96 : index
      %get3A_454 = tpu.vector_load %arg12[%get3A_452, %get3A_453] {strides = array<i32>} : memref<64x128xf32, #tpu.memory_space<vmem>>, vector<1x16xf32>,
      %get3A_455 = vector.shape_cast %get3A_454 : vector<1x16xf32> to vector<16xf32>
      %mul3A_456 = arith.mulf %get3A_451, %get3A_455 : vector<16xf32>
      %swap3A_457 = arith.index_cast %scan3A_364 : i32 to index
      %swap3A_458 = arith.constant 96 : index
      %swap3A_459 = tpu.vector_load %arg18[%swap3A_457, %swap3A_458] {strides = array<i32>} : memref<64x128xf32, #tpu.memory_space<vmem>>, vector<1x16xf32>,
      %swap3A_460 = vector.shape_cast %swap3A_459 : vector<1x16xf32> to vector<16xf32>
      %swap3A_461 = vector.shape_cast %mul3A_456 : vector<16xf32> to vector<1x16xf32>
      tpu.vector_store %arg18[%swap3A_457, %swap3A_458], %swap3A_461 {strides = array<i32>} : memref<64x128xf32, #tpu.memory_space<vmem>>, vector<1x16xf32>,
      %get3A_462 = arith.index_cast %scan3A_364 : i32 to index
      %get3A_463 = arith.constant 112 : index
      %get3A_464 = tpu.vector_load %arg18[%get3A_462, %get3A_463] {strides = array<i32>} : memref<64x128xf32, #tpu.memory_space<vmem>>, vector<1x16xf32>,
      %get3A_465 = vector.shape_cast %get3A_464 : vector<1x16xf32> to vector<16xf32>
      %get3A_466 = arith.index_cast %scan3A_364 : i32 to index
      %get3A_467 = arith.constant 112 : index
      %get3A_468 = tpu.vector_load %arg12[%get3A_466, %get3A_467] {strides = array<i32>} : memref<64x128xf32, #tpu.memory_space<vmem>>, vector<1x16xf32>,
      %get3A_469 = vector.shape_cast %get3A_468 : vector<1x16xf32> to vector<16xf32>
      %mul3A_470 = arith.mulf %get3A_465, %get3A_469 : vector<16xf32>
      %swap3A_471 = arith.index_cast %scan3A_364 : i32 to index
      %swap3A_472 = arith.constant 112 : index
      %swap3A_473 = tpu.vector_load %arg18[%swap3A_471, %swap3A_472] {strides = array<i32>} : memref<64x128xf32, #tpu.memory_space<vmem>>, vector<1x16xf32>,
      %swap3A_474 = vector.shape_cast %swap3A_473 : vector<1x16xf32> to vector<16xf32>
      %swap3A_475 = vector.shape_cast %mul3A_470 : vector<16xf32> to vector<1x16xf32>
      tpu.vector_store %arg18[%swap3A_471, %swap3A_472], %swap3A_475 {strides = array<i32>} : memref<64x128xf32, #tpu.memory_space<vmem>>, vector<1x16xf32>,
      %scan3A_476 = arith.constant 0 : i32
      scf.yield %scan3A_476 : i32
    }
    %scan3A_233 = arith.constant 64 : i32
    %dma_start3A_234 = arith.constant 0 : i32
    %dma_start3A_235 = tpu.memref_slice %arg5[%add3A_213, %dma_start3A_234] : memref<16384x128xf32, #tpu.memory_space<hbm>> -> memref<64x128xf32, #tpu.memory_space<hbm>>
    %dma_start3A_236 = arith.constant 0 : i32
    %dma_start3A_237 = tpu.memref_slice %arg5[%add3A_213, %dma_start3A_236] : memref<16384x128xf32, #tpu.memory_space<hbm>> -> memref<64x128xf32, #tpu.memory_space<hbm>>
    tpu.enqueue_dma source(%arg18 : memref<64x128xf32, #tpu.memory_space<vmem>>) target(%dma_start3A_237 : memref<64x128xf32, #tpu.memory_space<hbm>>) target_semaphore(%arg43 : memref<!tpu.dma_semaphore, #tpu.memory_space<semaphore_mem>>)
    %add3A_238 = arith.constant 320 : i32
    %add3A_239 = arith.addi %mul3A_2, %add3A_238 : i32
    %dma_wait3A_240 = arith.constant 320 : i32
    %dma_wait3A_241 = tpu.memref_slice %arg7[%dma_wait3A_240] : memref<512xi32, #tpu.memory_space<vmem>> -> memref<64xi32, #tpu.memory_space<vmem>>
    %dma_wait3A_242 = arith.constant 0 : i32
    %dma_wait3A_243 = arith.constant 0 : i32
    %dma_wait3A_244 = tpu.memref_slice %arg4[%dma_wait3A_242, %dma_wait3A_243] : memref<100000x128xf32, #tpu.memory_space<hbm>> -> memref<100000x128xf32, #tpu.memory_space<hbm>>
    tpu.wait_indirect_dma semaphore(%arg26 : memref<!tpu.dma_semaphore, #tpu.memory_space<semaphore_mem>>) src(%dma_wait3A_244 : memref<100000x128xf32, #tpu.memory_space<hbm>>) dst(%arg13 : memref<64x128xf32, #tpu.memory_space<vmem>>)
    %dma_start3A_245 = arith.constant 0 : i32
    %dma_start3A_246 = tpu.memref_slice %arg6[%add3A_239, %dma_start3A_245] : memref<16384x128xf32, #tpu.memory_space<hbm>> -> memref<64x128xf32, #tpu.memory_space<hbm>>
    %dma_start3A_247 = arith.constant 0 : i32
    %dma_start3A_248 = tpu.memref_slice %arg6[%add3A_239, %dma_start3A_247] : memref<16384x128xf32, #tpu.memory_space<hbm>> -> memref<64x128xf32, #tpu.memory_space<hbm>>
    tpu.enqueue_dma source(%arg13 : memref<64x128xf32, #tpu.memory_space<vmem>>) target(%dma_start3A_248 : memref<64x128xf32, #tpu.memory_space<hbm>>) target_semaphore(%arg38 : memref<!tpu.dma_semaphore, #tpu.memory_space<semaphore_mem>>)
    %dma_wait3A_249 = arith.constant 0 : i32
    %dma_wait3A_250 = tpu.memref_slice %arg3[%add3A_61, %dma_wait3A_249] : memref<16384x128xf32, #tpu.memory_space<hbm>> -> memref<64x128xf32, #tpu.memory_space<hbm>>
    %dma_wait3A_251 = arith.constant 0 : i32
    %dma_wait3A_252 = tpu.memref_slice %arg3[%add3A_61, %dma_wait3A_251] : memref<16384x128xf32, #tpu.memory_space<hbm>> -> memref<64x128xf32, #tpu.memory_space<hbm>>
    tpu.wait_dma2 semaphore(%arg32 : memref<!tpu.dma_semaphore, #tpu.memory_space<semaphore_mem>>) src(%dma_wait3A_252 : memref<64x128xf32, #tpu.memory_space<hbm>>) dst(%arg19 : memref<64x128xf32, #tpu.memory_space<vmem>>)
    %scan3A_253 = arith.constant 0 : i32
    %scan3A_254 = arith.constant 0 : i32
    %scan3A_255 = arith.constant 64 : i32
    %scan3A_256 = arith.addi %scan3A_254, %scan3A_255 : i32
    %scan3A_257 = arith.constant 1 : i32
    %scan3A_258 = scf.for %scan3A_364 = %scan3A_254 to %scan3A_256 step %scan3A_257 iter_args(%scan3A_365 = %scan3A_253) -> (i32)  : i32 {
      %get3A = arith.index_cast %scan3A_364 : i32 to index
      %get3A_366 = arith.constant 0 : index
      %get3A_367 = tpu.vector_load %arg19[%get3A, %get3A_366] {strides = array<i32>} : memref<64x128xf32, #tpu.memory_space<vmem>>, vector<1x16xf32>,
      %get3A_368 = vector.shape_cast %get3A_367 : vector<1x16xf32> to vector<16xf32>
      %get3A_369 = arith.index_cast %scan3A_364 : i32 to index
      %get3A_370 = arith.constant 0 : index
      %get3A_371 = tpu.vector_load %arg13[%get3A_369, %get3A_370] {strides = array<i32>} : memref<64x128xf32, #tpu.memory_space<vmem>>, vector<1x16xf32>,
      %get3A_372 = vector.shape_cast %get3A_371 : vector<1x16xf32> to vector<16xf32>
      %mul3A_373 = arith.mulf %get3A_368, %get3A_372 : vector<16xf32>
      %swap3A = arith.index_cast %scan3A_364 : i32 to index
      %swap3A_374 = arith.constant 0 : index
      %swap3A_375 = tpu.vector_load %arg19[%swap3A, %swap3A_374] {strides = array<i32>} : memref<64x128xf32, #tpu.memory_space<vmem>>, vector<1x16xf32>,
      %swap3A_376 = vector.shape_cast %swap3A_375 : vector<1x16xf32> to vector<16xf32>
      %swap3A_377 = vector.shape_cast %mul3A_373 : vector<16xf32> to vector<1x16xf32>
      tpu.vector_store %arg19[%swap3A, %swap3A_374], %swap3A_377 {strides = array<i32>} : memref<64x128xf32, #tpu.memory_space<vmem>>, vector<1x16xf32>,
      %get3A_378 = arith.index_cast %scan3A_364 : i32 to index
      %get3A_379 = arith.constant 16 : index
      %get3A_380 = tpu.vector_load %arg19[%get3A_378, %get3A_379] {strides = array<i32>} : memref<64x128xf32, #tpu.memory_space<vmem>>, vector<1x16xf32>,
      %get3A_381 = vector.shape_cast %get3A_380 : vector<1x16xf32> to vector<16xf32>
      %get3A_382 = arith.index_cast %scan3A_364 : i32 to index
      %get3A_383 = arith.constant 16 : index
      %get3A_384 = tpu.vector_load %arg13[%get3A_382, %get3A_383] {strides = array<i32>} : memref<64x128xf32, #tpu.memory_space<vmem>>, vector<1x16xf32>,
      %get3A_385 = vector.shape_cast %get3A_384 : vector<1x16xf32> to vector<16xf32>
      %mul3A_386 = arith.mulf %get3A_381, %get3A_385 : vector<16xf32>
      %swap3A_387 = arith.index_cast %scan3A_364 : i32 to index
      %swap3A_388 = arith.constant 16 : index
      %swap3A_389 = tpu.vector_load %arg19[%swap3A_387, %swap3A_388] {strides = array<i32>} : memref<64x128xf32, #tpu.memory_space<vmem>>, vector<1x16xf32>,
      %swap3A_390 = vector.shape_cast %swap3A_389 : vector<1x16xf32> to vector<16xf32>
      %swap3A_391 = vector.shape_cast %mul3A_386 : vector<16xf32> to vector<1x16xf32>
      tpu.vector_store %arg19[%swap3A_387, %swap3A_388], %swap3A_391 {strides = array<i32>} : memref<64x128xf32, #tpu.memory_space<vmem>>, vector<1x16xf32>,
      %get3A_392 = arith.index_cast %scan3A_364 : i32 to index
      %get3A_393 = arith.constant 32 : index
      %get3A_394 = tpu.vector_load %arg19[%get3A_392, %get3A_393] {strides = array<i32>} : memref<64x128xf32, #tpu.memory_space<vmem>>, vector<1x16xf32>,
      %get3A_395 = vector.shape_cast %get3A_394 : vector<1x16xf32> to vector<16xf32>
      %get3A_396 = arith.index_cast %scan3A_364 : i32 to index
      %get3A_397 = arith.constant 32 : index
      %get3A_398 = tpu.vector_load %arg13[%get3A_396, %get3A_397] {strides = array<i32>} : memref<64x128xf32, #tpu.memory_space<vmem>>, vector<1x16xf32>,
      %get3A_399 = vector.shape_cast %get3A_398 : vector<1x16xf32> to vector<16xf32>
      %mul3A_400 = arith.mulf %get3A_395, %get3A_399 : vector<16xf32>
      %swap3A_401 = arith.index_cast %scan3A_364 : i32 to index
      %swap3A_402 = arith.constant 32 : index
      %swap3A_403 = tpu.vector_load %arg19[%swap3A_401, %swap3A_402] {strides = array<i32>} : memref<64x128xf32, #tpu.memory_space<vmem>>, vector<1x16xf32>,
      %swap3A_404 = vector.shape_cast %swap3A_403 : vector<1x16xf32> to vector<16xf32>
      %swap3A_405 = vector.shape_cast %mul3A_400 : vector<16xf32> to vector<1x16xf32>
      tpu.vector_store %arg19[%swap3A_401, %swap3A_402], %swap3A_405 {strides = array<i32>} : memref<64x128xf32, #tpu.memory_space<vmem>>, vector<1x16xf32>,
      %get3A_406 = arith.index_cast %scan3A_364 : i32 to index
      %get3A_407 = arith.constant 48 : index
      %get3A_408 = tpu.vector_load %arg19[%get3A_406, %get3A_407] {strides = array<i32>} : memref<64x128xf32, #tpu.memory_space<vmem>>, vector<1x16xf32>,
      %get3A_409 = vector.shape_cast %get3A_408 : vector<1x16xf32> to vector<16xf32>
      %get3A_410 = arith.index_cast %scan3A_364 : i32 to index
      %get3A_411 = arith.constant 48 : index
      %get3A_412 = tpu.vector_load %arg13[%get3A_410, %get3A_411] {strides = array<i32>} : memref<64x128xf32, #tpu.memory_space<vmem>>, vector<1x16xf32>,
      %get3A_413 = vector.shape_cast %get3A_412 : vector<1x16xf32> to vector<16xf32>
      %mul3A_414 = arith.mulf %get3A_409, %get3A_413 : vector<16xf32>
      %swap3A_415 = arith.index_cast %scan3A_364 : i32 to index
      %swap3A_416 = arith.constant 48 : index
      %swap3A_417 = tpu.vector_load %arg19[%swap3A_415, %swap3A_416] {strides = array<i32>} : memref<64x128xf32, #tpu.memory_space<vmem>>, vector<1x16xf32>,
      %swap3A_418 = vector.shape_cast %swap3A_417 : vector<1x16xf32> to vector<16xf32>
      %swap3A_419 = vector.shape_cast %mul3A_414 : vector<16xf32> to vector<1x16xf32>
      tpu.vector_store %arg19[%swap3A_415, %swap3A_416], %swap3A_419 {strides = array<i32>} : memref<64x128xf32, #tpu.memory_space<vmem>>, vector<1x16xf32>,
      %get3A_420 = arith.index_cast %scan3A_364 : i32 to index
      %get3A_421 = arith.constant 64 : index
      %get3A_422 = tpu.vector_load %arg19[%get3A_420, %get3A_421] {strides = array<i32>} : memref<64x128xf32, #tpu.memory_space<vmem>>, vector<1x16xf32>,
      %get3A_423 = vector.shape_cast %get3A_422 : vector<1x16xf32> to vector<16xf32>
      %get3A_424 = arith.index_cast %scan3A_364 : i32 to index
      %get3A_425 = arith.constant 64 : index
      %get3A_426 = tpu.vector_load %arg13[%get3A_424, %get3A_425] {strides = array<i32>} : memref<64x128xf32, #tpu.memory_space<vmem>>, vector<1x16xf32>,
      %get3A_427 = vector.shape_cast %get3A_426 : vector<1x16xf32> to vector<16xf32>
      %mul3A_428 = arith.mulf %get3A_423, %get3A_427 : vector<16xf32>
      %swap3A_429 = arith.index_cast %scan3A_364 : i32 to index
      %swap3A_430 = arith.constant 64 : index
      %swap3A_431 = tpu.vector_load %arg19[%swap3A_429, %swap3A_430] {strides = array<i32>} : memref<64x128xf32, #tpu.memory_space<vmem>>, vector<1x16xf32>,
      %swap3A_432 = vector.shape_cast %swap3A_431 : vector<1x16xf32> to vector<16xf32>
      %swap3A_433 = vector.shape_cast %mul3A_428 : vector<16xf32> to vector<1x16xf32>
      tpu.vector_store %arg19[%swap3A_429, %swap3A_430], %swap3A_433 {strides = array<i32>} : memref<64x128xf32, #tpu.memory_space<vmem>>, vector<1x16xf32>,
      %get3A_434 = arith.index_cast %scan3A_364 : i32 to index
      %get3A_435 = arith.constant 80 : index
      %get3A_436 = tpu.vector_load %arg19[%get3A_434, %get3A_435] {strides = array<i32>} : memref<64x128xf32, #tpu.memory_space<vmem>>, vector<1x16xf32>,
      %get3A_437 = vector.shape_cast %get3A_436 : vector<1x16xf32> to vector<16xf32>
      %get3A_438 = arith.index_cast %scan3A_364 : i32 to index
      %get3A_439 = arith.constant 80 : index
      %get3A_440 = tpu.vector_load %arg13[%get3A_438, %get3A_439] {strides = array<i32>} : memref<64x128xf32, #tpu.memory_space<vmem>>, vector<1x16xf32>,
      %get3A_441 = vector.shape_cast %get3A_440 : vector<1x16xf32> to vector<16xf32>
      %mul3A_442 = arith.mulf %get3A_437, %get3A_441 : vector<16xf32>
      %swap3A_443 = arith.index_cast %scan3A_364 : i32 to index
      %swap3A_444 = arith.constant 80 : index
      %swap3A_445 = tpu.vector_load %arg19[%swap3A_443, %swap3A_444] {strides = array<i32>} : memref<64x128xf32, #tpu.memory_space<vmem>>, vector<1x16xf32>,
      %swap3A_446 = vector.shape_cast %swap3A_445 : vector<1x16xf32> to vector<16xf32>
      %swap3A_447 = vector.shape_cast %mul3A_442 : vector<16xf32> to vector<1x16xf32>
      tpu.vector_store %arg19[%swap3A_443, %swap3A_444], %swap3A_447 {strides = array<i32>} : memref<64x128xf32, #tpu.memory_space<vmem>>, vector<1x16xf32>,
      %get3A_448 = arith.index_cast %scan3A_364 : i32 to index
      %get3A_449 = arith.constant 96 : index
      %get3A_450 = tpu.vector_load %arg19[%get3A_448, %get3A_449] {strides = array<i32>} : memref<64x128xf32, #tpu.memory_space<vmem>>, vector<1x16xf32>,
      %get3A_451 = vector.shape_cast %get3A_450 : vector<1x16xf32> to vector<16xf32>
      %get3A_452 = arith.index_cast %scan3A_364 : i32 to index
      %get3A_453 = arith.constant 96 : index
      %get3A_454 = tpu.vector_load %arg13[%get3A_452, %get3A_453] {strides = array<i32>} : memref<64x128xf32, #tpu.memory_space<vmem>>, vector<1x16xf32>,
      %get3A_455 = vector.shape_cast %get3A_454 : vector<1x16xf32> to vector<16xf32>
      %mul3A_456 = arith.mulf %get3A_451, %get3A_455 : vector<16xf32>
      %swap3A_457 = arith.index_cast %scan3A_364 : i32 to index
      %swap3A_458 = arith.constant 96 : index
      %swap3A_459 = tpu.vector_load %arg19[%swap3A_457, %swap3A_458] {strides = array<i32>} : memref<64x128xf32, #tpu.memory_space<vmem>>, vector<1x16xf32>,
      %swap3A_460 = vector.shape_cast %swap3A_459 : vector<1x16xf32> to vector<16xf32>
      %swap3A_461 = vector.shape_cast %mul3A_456 : vector<16xf32> to vector<1x16xf32>
      tpu.vector_store %arg19[%swap3A_457, %swap3A_458], %swap3A_461 {strides = array<i32>} : memref<64x128xf32, #tpu.memory_space<vmem>>, vector<1x16xf32>,
      %get3A_462 = arith.index_cast %scan3A_364 : i32 to index
      %get3A_463 = arith.constant 112 : index
      %get3A_464 = tpu.vector_load %arg19[%get3A_462, %get3A_463] {strides = array<i32>} : memref<64x128xf32, #tpu.memory_space<vmem>>, vector<1x16xf32>,
      %get3A_465 = vector.shape_cast %get3A_464 : vector<1x16xf32> to vector<16xf32>
      %get3A_466 = arith.index_cast %scan3A_364 : i32 to index
      %get3A_467 = arith.constant 112 : index
      %get3A_468 = tpu.vector_load %arg13[%get3A_466, %get3A_467] {strides = array<i32>} : memref<64x128xf32, #tpu.memory_space<vmem>>, vector<1x16xf32>,
      %get3A_469 = vector.shape_cast %get3A_468 : vector<1x16xf32> to vector<16xf32>
      %mul3A_470 = arith.mulf %get3A_465, %get3A_469 : vector<16xf32>
      %swap3A_471 = arith.index_cast %scan3A_364 : i32 to index
      %swap3A_472 = arith.constant 112 : index
      %swap3A_473 = tpu.vector_load %arg19[%swap3A_471, %swap3A_472] {strides = array<i32>} : memref<64x128xf32, #tpu.memory_space<vmem>>, vector<1x16xf32>,
      %swap3A_474 = vector.shape_cast %swap3A_473 : vector<1x16xf32> to vector<16xf32>
      %swap3A_475 = vector.shape_cast %mul3A_470 : vector<16xf32> to vector<1x16xf32>
      tpu.vector_store %arg19[%swap3A_471, %swap3A_472], %swap3A_475 {strides = array<i32>} : memref<64x128xf32, #tpu.memory_space<vmem>>, vector<1x16xf32>,
      %scan3A_476 = arith.constant 0 : i32
      scf.yield %scan3A_476 : i32
    }
    %scan3A_259 = arith.constant 64 : i32
    %dma_start3A_260 = arith.constant 0 : i32
    %dma_start3A_261 = tpu.memref_slice %arg5[%add3A_239, %dma_start3A_260] : memref<16384x128xf32, #tpu.memory_space<hbm>> -> memref<64x128xf32, #tpu.memory_space<hbm>>
    %dma_start3A_262 = arith.constant 0 : i32
    %dma_start3A_263 = tpu.memref_slice %arg5[%add3A_239, %dma_start3A_262] : memref<16384x128xf32, #tpu.memory_space<hbm>> -> memref<64x128xf32, #tpu.memory_space<hbm>>
    tpu.enqueue_dma source(%arg19 : memref<64x128xf32, #tpu.memory_space<vmem>>) target(%dma_start3A_263 : memref<64x128xf32, #tpu.memory_space<hbm>>) target_semaphore(%arg44 : memref<!tpu.dma_semaphore, #tpu.memory_space<semaphore_mem>>)
    %add3A_264 = arith.constant 384 : i32
    %add3A_265 = arith.addi %mul3A_2, %add3A_264 : i32
    %dma_wait3A_266 = arith.constant 384 : i32
    %dma_wait3A_267 = tpu.memref_slice %arg7[%dma_wait3A_266] : memref<512xi32, #tpu.memory_space<vmem>> -> memref<64xi32, #tpu.memory_space<vmem>>
    %dma_wait3A_268 = arith.constant 0 : i32
    %dma_wait3A_269 = arith.constant 0 : i32
    %dma_wait3A_270 = tpu.memref_slice %arg4[%dma_wait3A_268, %dma_wait3A_269] : memref<100000x128xf32, #tpu.memory_space<hbm>> -> memref<100000x128xf32, #tpu.memory_space<hbm>>
    tpu.wait_indirect_dma semaphore(%arg21 : memref<!tpu.dma_semaphore, #tpu.memory_space<semaphore_mem>>) src(%dma_wait3A_270 : memref<100000x128xf32, #tpu.memory_space<hbm>>) dst(%arg8 : memref<64x128xf32, #tpu.memory_space<vmem>>)
    %dma_start3A_271 = arith.constant 0 : i32
    %dma_start3A_272 = tpu.memref_slice %arg6[%add3A_265, %dma_start3A_271] : memref<16384x128xf32, #tpu.memory_space<hbm>> -> memref<64x128xf32, #tpu.memory_space<hbm>>
    %dma_start3A_273 = arith.constant 0 : i32
    %dma_start3A_274 = tpu.memref_slice %arg6[%add3A_265, %dma_start3A_273] : memref<16384x128xf32, #tpu.memory_space<hbm>> -> memref<64x128xf32, #tpu.memory_space<hbm>>
    tpu.enqueue_dma source(%arg8 : memref<64x128xf32, #tpu.memory_space<vmem>>) target(%dma_start3A_274 : memref<64x128xf32, #tpu.memory_space<hbm>>) target_semaphore(%arg33 : memref<!tpu.dma_semaphore, #tpu.memory_space<semaphore_mem>>)
    %dma_wait3A_275 = arith.constant 0 : i32
    %dma_wait3A_276 = tpu.memref_slice %arg3[%add3A_97, %dma_wait3A_275] : memref<16384x128xf32, #tpu.memory_space<hbm>> -> memref<64x128xf32, #tpu.memory_space<hbm>>
    %dma_wait3A_277 = arith.constant 0 : i32
    %dma_wait3A_278 = tpu.memref_slice %arg3[%add3A_97, %dma_wait3A_277] : memref<16384x128xf32, #tpu.memory_space<hbm>> -> memref<64x128xf32, #tpu.memory_space<hbm>>
    tpu.wait_dma2 semaphore(%arg27 : memref<!tpu.dma_semaphore, #tpu.memory_space<semaphore_mem>>) src(%dma_wait3A_278 : memref<64x128xf32, #tpu.memory_space<hbm>>) dst(%arg14 : memref<64x128xf32, #tpu.memory_space<vmem>>)
    %scan3A_279 = arith.constant 0 : i32
    %scan3A_280 = arith.constant 0 : i32
    %scan3A_281 = arith.constant 64 : i32
    %scan3A_282 = arith.addi %scan3A_280, %scan3A_281 : i32
    %scan3A_283 = arith.constant 1 : i32
    %scan3A_284 = scf.for %scan3A_364 = %scan3A_280 to %scan3A_282 step %scan3A_283 iter_args(%scan3A_365 = %scan3A_279) -> (i32)  : i32 {
      %get3A = arith.index_cast %scan3A_364 : i32 to index
      %get3A_366 = arith.constant 0 : index
      %get3A_367 = tpu.vector_load %arg14[%get3A, %get3A_366] {strides = array<i32>} : memref<64x128xf32, #tpu.memory_space<vmem>>, vector<1x16xf32>,
      %get3A_368 = vector.shape_cast %get3A_367 : vector<1x16xf32> to vector<16xf32>
      %get3A_369 = arith.index_cast %scan3A_364 : i32 to index
      %get3A_370 = arith.constant 0 : index
      %get3A_371 = tpu.vector_load %arg8[%get3A_369, %get3A_370] {strides = array<i32>} : memref<64x128xf32, #tpu.memory_space<vmem>>, vector<1x16xf32>,
      %get3A_372 = vector.shape_cast %get3A_371 : vector<1x16xf32> to vector<16xf32>
      %mul3A_373 = arith.mulf %get3A_368, %get3A_372 : vector<16xf32>
      %swap3A = arith.index_cast %scan3A_364 : i32 to index
      %swap3A_374 = arith.constant 0 : index
      %swap3A_375 = tpu.vector_load %arg14[%swap3A, %swap3A_374] {strides = array<i32>} : memref<64x128xf32, #tpu.memory_space<vmem>>, vector<1x16xf32>,
      %swap3A_376 = vector.shape_cast %swap3A_375 : vector<1x16xf32> to vector<16xf32>
      %swap3A_377 = vector.shape_cast %mul3A_373 : vector<16xf32> to vector<1x16xf32>
      tpu.vector_store %arg14[%swap3A, %swap3A_374], %swap3A_377 {strides = array<i32>} : memref<64x128xf32, #tpu.memory_space<vmem>>, vector<1x16xf32>,
      %get3A_378 = arith.index_cast %scan3A_364 : i32 to index
      %get3A_379 = arith.constant 16 : index
      %get3A_380 = tpu.vector_load %arg14[%get3A_378, %get3A_379] {strides = array<i32>} : memref<64x128xf32, #tpu.memory_space<vmem>>, vector<1x16xf32>,
      %get3A_381 = vector.shape_cast %get3A_380 : vector<1x16xf32> to vector<16xf32>
      %get3A_382 = arith.index_cast %scan3A_364 : i32 to index
      %get3A_383 = arith.constant 16 : index
      %get3A_384 = tpu.vector_load %arg8[%get3A_382, %get3A_383] {strides = array<i32>} : memref<64x128xf32, #tpu.memory_space<vmem>>, vector<1x16xf32>,
      %get3A_385 = vector.shape_cast %get3A_384 : vector<1x16xf32> to vector<16xf32>
      %mul3A_386 = arith.mulf %get3A_381, %get3A_385 : vector<16xf32>
      %swap3A_387 = arith.index_cast %scan3A_364 : i32 to index
      %swap3A_388 = arith.constant 16 : index
      %swap3A_389 = tpu.vector_load %arg14[%swap3A_387, %swap3A_388] {strides = array<i32>} : memref<64x128xf32, #tpu.memory_space<vmem>>, vector<1x16xf32>,
      %swap3A_390 = vector.shape_cast %swap3A_389 : vector<1x16xf32> to vector<16xf32>
      %swap3A_391 = vector.shape_cast %mul3A_386 : vector<16xf32> to vector<1x16xf32>
      tpu.vector_store %arg14[%swap3A_387, %swap3A_388], %swap3A_391 {strides = array<i32>} : memref<64x128xf32, #tpu.memory_space<vmem>>, vector<1x16xf32>,
      %get3A_392 = arith.index_cast %scan3A_364 : i32 to index
      %get3A_393 = arith.constant 32 : index
      %get3A_394 = tpu.vector_load %arg14[%get3A_392, %get3A_393] {strides = array<i32>} : memref<64x128xf32, #tpu.memory_space<vmem>>, vector<1x16xf32>,
      %get3A_395 = vector.shape_cast %get3A_394 : vector<1x16xf32> to vector<16xf32>
      %get3A_396 = arith.index_cast %scan3A_364 : i32 to index
      %get3A_397 = arith.constant 32 : index
      %get3A_398 = tpu.vector_load %arg8[%get3A_396, %get3A_397] {strides = array<i32>} : memref<64x128xf32, #tpu.memory_space<vmem>>, vector<1x16xf32>,
      %get3A_399 = vector.shape_cast %get3A_398 : vector<1x16xf32> to vector<16xf32>
      %mul3A_400 = arith.mulf %get3A_395, %get3A_399 : vector<16xf32>
      %swap3A_401 = arith.index_cast %scan3A_364 : i32 to index
      %swap3A_402 = arith.constant 32 : index
      %swap3A_403 = tpu.vector_load %arg14[%swap3A_401, %swap3A_402] {strides = array<i32>} : memref<64x128xf32, #tpu.memory_space<vmem>>, vector<1x16xf32>,
      %swap3A_404 = vector.shape_cast %swap3A_403 : vector<1x16xf32> to vector<16xf32>
      %swap3A_405 = vector.shape_cast %mul3A_400 : vector<16xf32> to vector<1x16xf32>
      tpu.vector_store %arg14[%swap3A_401, %swap3A_402], %swap3A_405 {strides = array<i32>} : memref<64x128xf32, #tpu.memory_space<vmem>>, vector<1x16xf32>,
      %get3A_406 = arith.index_cast %scan3A_364 : i32 to index
      %get3A_407 = arith.constant 48 : index
      %get3A_408 = tpu.vector_load %arg14[%get3A_406, %get3A_407] {strides = array<i32>} : memref<64x128xf32, #tpu.memory_space<vmem>>, vector<1x16xf32>,
      %get3A_409 = vector.shape_cast %get3A_408 : vector<1x16xf32> to vector<16xf32>
      %get3A_410 = arith.index_cast %scan3A_364 : i32 to index
      %get3A_411 = arith.constant 48 : index
      %get3A_412 = tpu.vector_load %arg8[%get3A_410, %get3A_411] {strides = array<i32>} : memref<64x128xf32, #tpu.memory_space<vmem>>, vector<1x16xf32>,
      %get3A_413 = vector.shape_cast %get3A_412 : vector<1x16xf32> to vector<16xf32>
      %mul3A_414 = arith.mulf %get3A_409, %get3A_413 : vector<16xf32>
      %swap3A_415 = arith.index_cast %scan3A_364 : i32 to index
      %swap3A_416 = arith.constant 48 : index
      %swap3A_417 = tpu.vector_load %arg14[%swap3A_415, %swap3A_416] {strides = array<i32>} : memref<64x128xf32, #tpu.memory_space<vmem>>, vector<1x16xf32>,
      %swap3A_418 = vector.shape_cast %swap3A_417 : vector<1x16xf32> to vector<16xf32>
      %swap3A_419 = vector.shape_cast %mul3A_414 : vector<16xf32> to vector<1x16xf32>
      tpu.vector_store %arg14[%swap3A_415, %swap3A_416], %swap3A_419 {strides = array<i32>} : memref<64x128xf32, #tpu.memory_space<vmem>>, vector<1x16xf32>,
      %get3A_420 = arith.index_cast %scan3A_364 : i32 to index
      %get3A_421 = arith.constant 64 : index
      %get3A_422 = tpu.vector_load %arg14[%get3A_420, %get3A_421] {strides = array<i32>} : memref<64x128xf32, #tpu.memory_space<vmem>>, vector<1x16xf32>,
      %get3A_423 = vector.shape_cast %get3A_422 : vector<1x16xf32> to vector<16xf32>
      %get3A_424 = arith.index_cast %scan3A_364 : i32 to index
      %get3A_425 = arith.constant 64 : index
      %get3A_426 = tpu.vector_load %arg8[%get3A_424, %get3A_425] {strides = array<i32>} : memref<64x128xf32, #tpu.memory_space<vmem>>, vector<1x16xf32>,
      %get3A_427 = vector.shape_cast %get3A_426 : vector<1x16xf32> to vector<16xf32>
      %mul3A_428 = arith.mulf %get3A_423, %get3A_427 : vector<16xf32>
      %swap3A_429 = arith.index_cast %scan3A_364 : i32 to index
      %swap3A_430 = arith.constant 64 : index
      %swap3A_431 = tpu.vector_load %arg14[%swap3A_429, %swap3A_430] {strides = array<i32>} : memref<64x128xf32, #tpu.memory_space<vmem>>, vector<1x16xf32>,
      %swap3A_432 = vector.shape_cast %swap3A_431 : vector<1x16xf32> to vector<16xf32>
      %swap3A_433 = vector.shape_cast %mul3A_428 : vector<16xf32> to vector<1x16xf32>
      tpu.vector_store %arg14[%swap3A_429, %swap3A_430], %swap3A_433 {strides = array<i32>} : memref<64x128xf32, #tpu.memory_space<vmem>>, vector<1x16xf32>,
      %get3A_434 = arith.index_cast %scan3A_364 : i32 to index
      %get3A_435 = arith.constant 80 : index
      %get3A_436 = tpu.vector_load %arg14[%get3A_434, %get3A_435] {strides = array<i32>} : memref<64x128xf32, #tpu.memory_space<vmem>>, vector<1x16xf32>,
      %get3A_437 = vector.shape_cast %get3A_436 : vector<1x16xf32> to vector<16xf32>
      %get3A_438 = arith.index_cast %scan3A_364 : i32 to index
      %get3A_439 = arith.constant 80 : index
      %get3A_440 = tpu.vector_load %arg8[%get3A_438, %get3A_439] {strides = array<i32>} : memref<64x128xf32, #tpu.memory_space<vmem>>, vector<1x16xf32>,
      %get3A_441 = vector.shape_cast %get3A_440 : vector<1x16xf32> to vector<16xf32>
      %mul3A_442 = arith.mulf %get3A_437, %get3A_441 : vector<16xf32>
      %swap3A_443 = arith.index_cast %scan3A_364 : i32 to index
      %swap3A_444 = arith.constant 80 : index
      %swap3A_445 = tpu.vector_load %arg14[%swap3A_443, %swap3A_444] {strides = array<i32>} : memref<64x128xf32, #tpu.memory_space<vmem>>, vector<1x16xf32>,
      %swap3A_446 = vector.shape_cast %swap3A_445 : vector<1x16xf32> to vector<16xf32>
      %swap3A_447 = vector.shape_cast %mul3A_442 : vector<16xf32> to vector<1x16xf32>
      tpu.vector_store %arg14[%swap3A_443, %swap3A_444], %swap3A_447 {strides = array<i32>} : memref<64x128xf32, #tpu.memory_space<vmem>>, vector<1x16xf32>,
      %get3A_448 = arith.index_cast %scan3A_364 : i32 to index
      %get3A_449 = arith.constant 96 : index
      %get3A_450 = tpu.vector_load %arg14[%get3A_448, %get3A_449] {strides = array<i32>} : memref<64x128xf32, #tpu.memory_space<vmem>>, vector<1x16xf32>,
      %get3A_451 = vector.shape_cast %get3A_450 : vector<1x16xf32> to vector<16xf32>
      %get3A_452 = arith.index_cast %scan3A_364 : i32 to index
      %get3A_453 = arith.constant 96 : index
      %get3A_454 = tpu.vector_load %arg8[%get3A_452, %get3A_453] {strides = array<i32>} : memref<64x128xf32, #tpu.memory_space<vmem>>, vector<1x16xf32>,
      %get3A_455 = vector.shape_cast %get3A_454 : vector<1x16xf32> to vector<16xf32>
      %mul3A_456 = arith.mulf %get3A_451, %get3A_455 : vector<16xf32>
      %swap3A_457 = arith.index_cast %scan3A_364 : i32 to index
      %swap3A_458 = arith.constant 96 : index
      %swap3A_459 = tpu.vector_load %arg14[%swap3A_457, %swap3A_458] {strides = array<i32>} : memref<64x128xf32, #tpu.memory_space<vmem>>, vector<1x16xf32>,
      %swap3A_460 = vector.shape_cast %swap3A_459 : vector<1x16xf32> to vector<16xf32>
      %swap3A_461 = vector.shape_cast %mul3A_456 : vector<16xf32> to vector<1x16xf32>
      tpu.vector_store %arg14[%swap3A_457, %swap3A_458], %swap3A_461 {strides = array<i32>} : memref<64x128xf32, #tpu.memory_space<vmem>>, vector<1x16xf32>,
      %get3A_462 = arith.index_cast %scan3A_364 : i32 to index
      %get3A_463 = arith.constant 112 : index
      %get3A_464 = tpu.vector_load %arg14[%get3A_462, %get3A_463] {strides = array<i32>} : memref<64x128xf32, #tpu.memory_space<vmem>>, vector<1x16xf32>,
      %get3A_465 = vector.shape_cast %get3A_464 : vector<1x16xf32> to vector<16xf32>
      %get3A_466 = arith.index_cast %scan3A_364 : i32 to index
      %get3A_467 = arith.constant 112 : index
      %get3A_468 = tpu.vector_load %arg8[%get3A_466, %get3A_467] {strides = array<i32>} : memref<64x128xf32, #tpu.memory_space<vmem>>, vector<1x16xf32>,
      %get3A_469 = vector.shape_cast %get3A_468 : vector<1x16xf32> to vector<16xf32>
      %mul3A_470 = arith.mulf %get3A_465, %get3A_469 : vector<16xf32>
      %swap3A_471 = arith.index_cast %scan3A_364 : i32 to index
      %swap3A_472 = arith.constant 112 : index
      %swap3A_473 = tpu.vector_load %arg14[%swap3A_471, %swap3A_472] {strides = array<i32>} : memref<64x128xf32, #tpu.memory_space<vmem>>, vector<1x16xf32>,
      %swap3A_474 = vector.shape_cast %swap3A_473 : vector<1x16xf32> to vector<16xf32>
      %swap3A_475 = vector.shape_cast %mul3A_470 : vector<16xf32> to vector<1x16xf32>
      tpu.vector_store %arg14[%swap3A_471, %swap3A_472], %swap3A_475 {strides = array<i32>} : memref<64x128xf32, #tpu.memory_space<vmem>>, vector<1x16xf32>,
      %scan3A_476 = arith.constant 0 : i32
      scf.yield %scan3A_476 : i32
    }
    %scan3A_285 = arith.constant 64 : i32
    %dma_start3A_286 = arith.constant 0 : i32
    %dma_start3A_287 = tpu.memref_slice %arg5[%add3A_265, %dma_start3A_286] : memref<16384x128xf32, #tpu.memory_space<hbm>> -> memref<64x128xf32, #tpu.memory_space<hbm>>
    %dma_start3A_288 = arith.constant 0 : i32
    %dma_start3A_289 = tpu.memref_slice %arg5[%add3A_265, %dma_start3A_288] : memref<16384x128xf32, #tpu.memory_space<hbm>> -> memref<64x128xf32, #tpu.memory_space<hbm>>
    tpu.enqueue_dma source(%arg14 : memref<64x128xf32, #tpu.memory_space<vmem>>) target(%dma_start3A_289 : memref<64x128xf32, #tpu.memory_space<hbm>>) target_semaphore(%arg39 : memref<!tpu.dma_semaphore, #tpu.memory_space<semaphore_mem>>)
    %add3A_290 = arith.constant 448 : i32
    %add3A_291 = arith.addi %mul3A_2, %add3A_290 : i32
    %dma_wait3A_292 = arith.constant 448 : i32
    %dma_wait3A_293 = tpu.memref_slice %arg7[%dma_wait3A_292] : memref<512xi32, #tpu.memory_space<vmem>> -> memref<64xi32, #tpu.memory_space<vmem>>
    %dma_wait3A_294 = arith.constant 0 : i32
    %dma_wait3A_295 = arith.constant 0 : i32
    %dma_wait3A_296 = tpu.memref_slice %arg4[%dma_wait3A_294, %dma_wait3A_295] : memref<100000x128xf32, #tpu.memory_space<hbm>> -> memref<100000x128xf32, #tpu.memory_space<hbm>>
    tpu.wait_indirect_dma semaphore(%arg22 : memref<!tpu.dma_semaphore, #tpu.memory_space<semaphore_mem>>) src(%dma_wait3A_296 : memref<100000x128xf32, #tpu.memory_space<hbm>>) dst(%arg9 : memref<64x128xf32, #tpu.memory_space<vmem>>)
    %dma_start3A_297 = arith.constant 0 : i32
    %dma_start3A_298 = tpu.memref_slice %arg6[%add3A_291, %dma_start3A_297] : memref<16384x128xf32, #tpu.memory_space<hbm>> -> memref<64x128xf32, #tpu.memory_space<hbm>>
    %dma_start3A_299 = arith.constant 0 : i32
    %dma_start3A_300 = tpu.memref_slice %arg6[%add3A_291, %dma_start3A_299] : memref<16384x128xf32, #tpu.memory_space<hbm>> -> memref<64x128xf32, #tpu.memory_space<hbm>>
    tpu.enqueue_dma source(%arg9 : memref<64x128xf32, #tpu.memory_space<vmem>>) target(%dma_start3A_300 : memref<64x128xf32, #tpu.memory_space<hbm>>) target_semaphore(%arg34 : memref<!tpu.dma_semaphore, #tpu.memory_space<semaphore_mem>>)
    %dma_wait3A_301 = arith.constant 0 : i32
    %dma_wait3A_302 = tpu.memref_slice %arg3[%add3A_142, %dma_wait3A_301] : memref<16384x128xf32, #tpu.memory_space<hbm>> -> memref<64x128xf32, #tpu.memory_space<hbm>>
    %dma_wait3A_303 = arith.constant 0 : i32
    %dma_wait3A_304 = tpu.memref_slice %arg3[%add3A_142, %dma_wait3A_303] : memref<16384x128xf32, #tpu.memory_space<hbm>> -> memref<64x128xf32, #tpu.memory_space<hbm>>
    tpu.wait_dma2 semaphore(%arg28 : memref<!tpu.dma_semaphore, #tpu.memory_space<semaphore_mem>>) src(%dma_wait3A_304 : memref<64x128xf32, #tpu.memory_space<hbm>>) dst(%arg15 : memref<64x128xf32, #tpu.memory_space<vmem>>)
    %scan3A_305 = arith.constant 0 : i32
    %scan3A_306 = arith.constant 0 : i32
    %scan3A_307 = arith.constant 64 : i32
    %scan3A_308 = arith.addi %scan3A_306, %scan3A_307 : i32
    %scan3A_309 = arith.constant 1 : i32
    %scan3A_310 = scf.for %scan3A_364 = %scan3A_306 to %scan3A_308 step %scan3A_309 iter_args(%scan3A_365 = %scan3A_305) -> (i32)  : i32 {
      %get3A = arith.index_cast %scan3A_364 : i32 to index
      %get3A_366 = arith.constant 0 : index
      %get3A_367 = tpu.vector_load %arg15[%get3A, %get3A_366] {strides = array<i32>} : memref<64x128xf32, #tpu.memory_space<vmem>>, vector<1x16xf32>,
      %get3A_368 = vector.shape_cast %get3A_367 : vector<1x16xf32> to vector<16xf32>
      %get3A_369 = arith.index_cast %scan3A_364 : i32 to index
      %get3A_370 = arith.constant 0 : index
      %get3A_371 = tpu.vector_load %arg9[%get3A_369, %get3A_370] {strides = array<i32>} : memref<64x128xf32, #tpu.memory_space<vmem>>, vector<1x16xf32>,
      %get3A_372 = vector.shape_cast %get3A_371 : vector<1x16xf32> to vector<16xf32>
      %mul3A_373 = arith.mulf %get3A_368, %get3A_372 : vector<16xf32>
      %swap3A = arith.index_cast %scan3A_364 : i32 to index
      %swap3A_374 = arith.constant 0 : index
      %swap3A_375 = tpu.vector_load %arg15[%swap3A, %swap3A_374] {strides = array<i32>} : memref<64x128xf32, #tpu.memory_space<vmem>>, vector<1x16xf32>,
      %swap3A_376 = vector.shape_cast %swap3A_375 : vector<1x16xf32> to vector<16xf32>
      %swap3A_377 = vector.shape_cast %mul3A_373 : vector<16xf32> to vector<1x16xf32>
      tpu.vector_store %arg15[%swap3A, %swap3A_374], %swap3A_377 {strides = array<i32>} : memref<64x128xf32, #tpu.memory_space<vmem>>, vector<1x16xf32>,
      %get3A_378 = arith.index_cast %scan3A_364 : i32 to index
      %get3A_379 = arith.constant 16 : index
      %get3A_380 = tpu.vector_load %arg15[%get3A_378, %get3A_379] {strides = array<i32>} : memref<64x128xf32, #tpu.memory_space<vmem>>, vector<1x16xf32>,
      %get3A_381 = vector.shape_cast %get3A_380 : vector<1x16xf32> to vector<16xf32>
      %get3A_382 = arith.index_cast %scan3A_364 : i32 to index
      %get3A_383 = arith.constant 16 : index
      %get3A_384 = tpu.vector_load %arg9[%get3A_382, %get3A_383] {strides = array<i32>} : memref<64x128xf32, #tpu.memory_space<vmem>>, vector<1x16xf32>,
      %get3A_385 = vector.shape_cast %get3A_384 : vector<1x16xf32> to vector<16xf32>
      %mul3A_386 = arith.mulf %get3A_381, %get3A_385 : vector<16xf32>
      %swap3A_387 = arith.index_cast %scan3A_364 : i32 to index
      %swap3A_388 = arith.constant 16 : index
      %swap3A_389 = tpu.vector_load %arg15[%swap3A_387, %swap3A_388] {strides = array<i32>} : memref<64x128xf32, #tpu.memory_space<vmem>>, vector<1x16xf32>,
      %swap3A_390 = vector.shape_cast %swap3A_389 : vector<1x16xf32> to vector<16xf32>
      %swap3A_391 = vector.shape_cast %mul3A_386 : vector<16xf32> to vector<1x16xf32>
      tpu.vector_store %arg15[%swap3A_387, %swap3A_388], %swap3A_391 {strides = array<i32>} : memref<64x128xf32, #tpu.memory_space<vmem>>, vector<1x16xf32>,
      %get3A_392 = arith.index_cast %scan3A_364 : i32 to index
      %get3A_393 = arith.constant 32 : index
      %get3A_394 = tpu.vector_load %arg15[%get3A_392, %get3A_393] {strides = array<i32>} : memref<64x128xf32, #tpu.memory_space<vmem>>, vector<1x16xf32>,
      %get3A_395 = vector.shape_cast %get3A_394 : vector<1x16xf32> to vector<16xf32>
      %get3A_396 = arith.index_cast %scan3A_364 : i32 to index
      %get3A_397 = arith.constant 32 : index
      %get3A_398 = tpu.vector_load %arg9[%get3A_396, %get3A_397] {strides = array<i32>} : memref<64x128xf32, #tpu.memory_space<vmem>>, vector<1x16xf32>,
      %get3A_399 = vector.shape_cast %get3A_398 : vector<1x16xf32> to vector<16xf32>
      %mul3A_400 = arith.mulf %get3A_395, %get3A_399 : vector<16xf32>
      %swap3A_401 = arith.index_cast %scan3A_364 : i32 to index
      %swap3A_402 = arith.constant 32 : index
      %swap3A_403 = tpu.vector_load %arg15[%swap3A_401, %swap3A_402] {strides = array<i32>} : memref<64x128xf32, #tpu.memory_space<vmem>>, vector<1x16xf32>,
      %swap3A_404 = vector.shape_cast %swap3A_403 : vector<1x16xf32> to vector<16xf32>
      %swap3A_405 = vector.shape_cast %mul3A_400 : vector<16xf32> to vector<1x16xf32>
      tpu.vector_store %arg15[%swap3A_401, %swap3A_402], %swap3A_405 {strides = array<i32>} : memref<64x128xf32, #tpu.memory_space<vmem>>, vector<1x16xf32>,
      %get3A_406 = arith.index_cast %scan3A_364 : i32 to index
      %get3A_407 = arith.constant 48 : index
      %get3A_408 = tpu.vector_load %arg15[%get3A_406, %get3A_407] {strides = array<i32>} : memref<64x128xf32, #tpu.memory_space<vmem>>, vector<1x16xf32>,
      %get3A_409 = vector.shape_cast %get3A_408 : vector<1x16xf32> to vector<16xf32>
      %get3A_410 = arith.index_cast %scan3A_364 : i32 to index
      %get3A_411 = arith.constant 48 : index
      %get3A_412 = tpu.vector_load %arg9[%get3A_410, %get3A_411] {strides = array<i32>} : memref<64x128xf32, #tpu.memory_space<vmem>>, vector<1x16xf32>,
      %get3A_413 = vector.shape_cast %get3A_412 : vector<1x16xf32> to vector<16xf32>
      %mul3A_414 = arith.mulf %get3A_409, %get3A_413 : vector<16xf32>
      %swap3A_415 = arith.index_cast %scan3A_364 : i32 to index
      %swap3A_416 = arith.constant 48 : index
      %swap3A_417 = tpu.vector_load %arg15[%swap3A_415, %swap3A_416] {strides = array<i32>} : memref<64x128xf32, #tpu.memory_space<vmem>>, vector<1x16xf32>,
      %swap3A_418 = vector.shape_cast %swap3A_417 : vector<1x16xf32> to vector<16xf32>
      %swap3A_419 = vector.shape_cast %mul3A_414 : vector<16xf32> to vector<1x16xf32>
      tpu.vector_store %arg15[%swap3A_415, %swap3A_416], %swap3A_419 {strides = array<i32>} : memref<64x128xf32, #tpu.memory_space<vmem>>, vector<1x16xf32>,
      %get3A_420 = arith.index_cast %scan3A_364 : i32 to index
      %get3A_421 = arith.constant 64 : index
      %get3A_422 = tpu.vector_load %arg15[%get3A_420, %get3A_421] {strides = array<i32>} : memref<64x128xf32, #tpu.memory_space<vmem>>, vector<1x16xf32>,
      %get3A_423 = vector.shape_cast %get3A_422 : vector<1x16xf32> to vector<16xf32>
      %get3A_424 = arith.index_cast %scan3A_364 : i32 to index
      %get3A_425 = arith.constant 64 : index
      %get3A_426 = tpu.vector_load %arg9[%get3A_424, %get3A_425] {strides = array<i32>} : memref<64x128xf32, #tpu.memory_space<vmem>>, vector<1x16xf32>,
      %get3A_427 = vector.shape_cast %get3A_426 : vector<1x16xf32> to vector<16xf32>
      %mul3A_428 = arith.mulf %get3A_423, %get3A_427 : vector<16xf32>
      %swap3A_429 = arith.index_cast %scan3A_364 : i32 to index
      %swap3A_430 = arith.constant 64 : index
      %swap3A_431 = tpu.vector_load %arg15[%swap3A_429, %swap3A_430] {strides = array<i32>} : memref<64x128xf32, #tpu.memory_space<vmem>>, vector<1x16xf32>,
      %swap3A_432 = vector.shape_cast %swap3A_431 : vector<1x16xf32> to vector<16xf32>
      %swap3A_433 = vector.shape_cast %mul3A_428 : vector<16xf32> to vector<1x16xf32>
      tpu.vector_store %arg15[%swap3A_429, %swap3A_430], %swap3A_433 {strides = array<i32>} : memref<64x128xf32, #tpu.memory_space<vmem>>, vector<1x16xf32>,
      %get3A_434 = arith.index_cast %scan3A_364 : i32 to index
      %get3A_435 = arith.constant 80 : index
      %get3A_436 = tpu.vector_load %arg15[%get3A_434, %get3A_435] {strides = array<i32>} : memref<64x128xf32, #tpu.memory_space<vmem>>, vector<1x16xf32>,
      %get3A_437 = vector.shape_cast %get3A_436 : vector<1x16xf32> to vector<16xf32>
      %get3A_438 = arith.index_cast %scan3A_364 : i32 to index
      %get3A_439 = arith.constant 80 : index
      %get3A_440 = tpu.vector_load %arg9[%get3A_438, %get3A_439] {strides = array<i32>} : memref<64x128xf32, #tpu.memory_space<vmem>>, vector<1x16xf32>,
      %get3A_441 = vector.shape_cast %get3A_440 : vector<1x16xf32> to vector<16xf32>
      %mul3A_442 = arith.mulf %get3A_437, %get3A_441 : vector<16xf32>
      %swap3A_443 = arith.index_cast %scan3A_364 : i32 to index
      %swap3A_444 = arith.constant 80 : index
      %swap3A_445 = tpu.vector_load %arg15[%swap3A_443, %swap3A_444] {strides = array<i32>} : memref<64x128xf32, #tpu.memory_space<vmem>>, vector<1x16xf32>,
      %swap3A_446 = vector.shape_cast %swap3A_445 : vector<1x16xf32> to vector<16xf32>
      %swap3A_447 = vector.shape_cast %mul3A_442 : vector<16xf32> to vector<1x16xf32>
      tpu.vector_store %arg15[%swap3A_443, %swap3A_444], %swap3A_447 {strides = array<i32>} : memref<64x128xf32, #tpu.memory_space<vmem>>, vector<1x16xf32>,
      %get3A_448 = arith.index_cast %scan3A_364 : i32 to index
      %get3A_449 = arith.constant 96 : index
      %get3A_450 = tpu.vector_load %arg15[%get3A_448, %get3A_449] {strides = array<i32>} : memref<64x128xf32, #tpu.memory_space<vmem>>, vector<1x16xf32>,
      %get3A_451 = vector.shape_cast %get3A_450 : vector<1x16xf32> to vector<16xf32>
      %get3A_452 = arith.index_cast %scan3A_364 : i32 to index
      %get3A_453 = arith.constant 96 : index
      %get3A_454 = tpu.vector_load %arg9[%get3A_452, %get3A_453] {strides = array<i32>} : memref<64x128xf32, #tpu.memory_space<vmem>>, vector<1x16xf32>,
      %get3A_455 = vector.shape_cast %get3A_454 : vector<1x16xf32> to vector<16xf32>
      %mul3A_456 = arith.mulf %get3A_451, %get3A_455 : vector<16xf32>
      %swap3A_457 = arith.index_cast %scan3A_364 : i32 to index
      %swap3A_458 = arith.constant 96 : index
      %swap3A_459 = tpu.vector_load %arg15[%swap3A_457, %swap3A_458] {strides = array<i32>} : memref<64x128xf32, #tpu.memory_space<vmem>>, vector<1x16xf32>,
      %swap3A_460 = vector.shape_cast %swap3A_459 : vector<1x16xf32> to vector<16xf32>
      %swap3A_461 = vector.shape_cast %mul3A_456 : vector<16xf32> to vector<1x16xf32>
      tpu.vector_store %arg15[%swap3A_457, %swap3A_458], %swap3A_461 {strides = array<i32>} : memref<64x128xf32, #tpu.memory_space<vmem>>, vector<1x16xf32>,
      %get3A_462 = arith.index_cast %scan3A_364 : i32 to index
      %get3A_463 = arith.constant 112 : index
      %get3A_464 = tpu.vector_load %arg15[%get3A_462, %get3A_463] {strides = array<i32>} : memref<64x128xf32, #tpu.memory_space<vmem>>, vector<1x16xf32>,
      %get3A_465 = vector.shape_cast %get3A_464 : vector<1x16xf32> to vector<16xf32>
      %get3A_466 = arith.index_cast %scan3A_364 : i32 to index
      %get3A_467 = arith.constant 112 : index
      %get3A_468 = tpu.vector_load %arg9[%get3A_466, %get3A_467] {strides = array<i32>} : memref<64x128xf32, #tpu.memory_space<vmem>>, vector<1x16xf32>,
      %get3A_469 = vector.shape_cast %get3A_468 : vector<1x16xf32> to vector<16xf32>
      %mul3A_470 = arith.mulf %get3A_465, %get3A_469 : vector<16xf32>
      %swap3A_471 = arith.index_cast %scan3A_364 : i32 to index
      %swap3A_472 = arith.constant 112 : index
      %swap3A_473 = tpu.vector_load %arg15[%swap3A_471, %swap3A_472] {strides = array<i32>} : memref<64x128xf32, #tpu.memory_space<vmem>>, vector<1x16xf32>,
      %swap3A_474 = vector.shape_cast %swap3A_473 : vector<1x16xf32> to vector<16xf32>
      %swap3A_475 = vector.shape_cast %mul3A_470 : vector<16xf32> to vector<1x16xf32>
      tpu.vector_store %arg15[%swap3A_471, %swap3A_472], %swap3A_475 {strides = array<i32>} : memref<64x128xf32, #tpu.memory_space<vmem>>, vector<1x16xf32>,
      %scan3A_476 = arith.constant 0 : i32
      scf.yield %scan3A_476 : i32
    }
    %scan3A_311 = arith.constant 64 : i32
    %dma_start3A_312 = arith.constant 0 : i32
    %dma_start3A_313 = tpu.memref_slice %arg5[%add3A_291, %dma_start3A_312] : memref<16384x128xf32, #tpu.memory_space<hbm>> -> memref<64x128xf32, #tpu.memory_space<hbm>>
    %dma_start3A_314 = arith.constant 0 : i32
    %dma_start3A_315 = tpu.memref_slice %arg5[%add3A_291, %dma_start3A_314] : memref<16384x128xf32, #tpu.memory_space<hbm>> -> memref<64x128xf32, #tpu.memory_space<hbm>>
    tpu.enqueue_dma source(%arg15 : memref<64x128xf32, #tpu.memory_space<vmem>>) target(%dma_start3A_315 : memref<64x128xf32, #tpu.memory_space<hbm>>) target_semaphore(%arg40 : memref<!tpu.dma_semaphore, #tpu.memory_space<semaphore_mem>>)
    %dma_wait3A_316 = arith.constant 0 : i32
    %dma_wait3A_317 = tpu.memref_slice %arg6[%add3A_265, %dma_wait3A_316] : memref<16384x128xf32, #tpu.memory_space<hbm>> -> memref<64x128xf32, #tpu.memory_space<hbm>>
    %dma_wait3A_318 = arith.constant 0 : i32
    %dma_wait3A_319 = tpu.memref_slice %arg6[%add3A_265, %dma_wait3A_318] : memref<16384x128xf32, #tpu.memory_space<hbm>> -> memref<64x128xf32, #tpu.memory_space<hbm>>
    tpu.wait_dma2 semaphore(%arg33 : memref<!tpu.dma_semaphore, #tpu.memory_space<semaphore_mem>>) src(%arg8 : memref<64x128xf32, #tpu.memory_space<vmem>>) dst(%dma_wait3A_319 : memref<64x128xf32, #tpu.memory_space<hbm>>)
    %dma_wait3A_320 = arith.constant 0 : i32
    %dma_wait3A_321 = tpu.memref_slice %arg5[%add3A_265, %dma_wait3A_320] : memref<16384x128xf32, #tpu.memory_space<hbm>> -> memref<64x128xf32, #tpu.memory_space<hbm>>
    %dma_wait3A_322 = arith.constant 0 : i32
    %dma_wait3A_323 = tpu.memref_slice %arg5[%add3A_265, %dma_wait3A_322] : memref<16384x128xf32, #tpu.memory_space<hbm>> -> memref<64x128xf32, #tpu.memory_space<hbm>>
    tpu.wait_dma2 semaphore(%arg39 : memref<!tpu.dma_semaphore, #tpu.memory_space<semaphore_mem>>) src(%arg14 : memref<64x128xf32, #tpu.memory_space<vmem>>) dst(%dma_wait3A_323 : memref<64x128xf32, #tpu.memory_space<hbm>>)
    %dma_wait3A_324 = arith.constant 0 : i32
    %dma_wait3A_325 = tpu.memref_slice %arg6[%add3A_291, %dma_wait3A_324] : memref<16384x128xf32, #tpu.memory_space<hbm>> -> memref<64x128xf32, #tpu.memory_space<hbm>>
    %dma_wait3A_326 = arith.constant 0 : i32
    %dma_wait3A_327 = tpu.memref_slice %arg6[%add3A_291, %dma_wait3A_326] : memref<16384x128xf32, #tpu.memory_space<hbm>> -> memref<64x128xf32, #tpu.memory_space<hbm>>
    tpu.wait_dma2 semaphore(%arg34 : memref<!tpu.dma_semaphore, #tpu.memory_space<semaphore_mem>>) src(%arg9 : memref<64x128xf32, #tpu.memory_space<vmem>>) dst(%dma_wait3A_327 : memref<64x128xf32, #tpu.memory_space<hbm>>)
    %dma_wait3A_328 = arith.constant 0 : i32
    %dma_wait3A_329 = tpu.memref_slice %arg5[%add3A_291, %dma_wait3A_328] : memref<16384x128xf32, #tpu.memory_space<hbm>> -> memref<64x128xf32, #tpu.memory_space<hbm>>
    %dma_wait3A_330 = arith.constant 0 : i32
    %dma_wait3A_331 = tpu.memref_slice %arg5[%add3A_291, %dma_wait3A_330] : memref<16384x128xf32, #tpu.memory_space<hbm>> -> memref<64x128xf32, #tpu.memory_space<hbm>>
    tpu.wait_dma2 semaphore(%arg40 : memref<!tpu.dma_semaphore, #tpu.memory_space<semaphore_mem>>) src(%arg15 : memref<64x128xf32, #tpu.memory_space<vmem>>) dst(%dma_wait3A_331 : memref<64x128xf32, #tpu.memory_space<hbm>>)
    %dma_wait3A_332 = arith.constant 0 : i32
    %dma_wait3A_333 = tpu.memref_slice %arg6[%add3A_161, %dma_wait3A_332] : memref<16384x128xf32, #tpu.memory_space<hbm>> -> memref<64x128xf32, #tpu.memory_space<hbm>>
    %dma_wait3A_334 = arith.constant 0 : i32
    %dma_wait3A_335 = tpu.memref_slice %arg6[%add3A_161, %dma_wait3A_334] : memref<16384x128xf32, #tpu.memory_space<hbm>> -> memref<64x128xf32, #tpu.memory_space<hbm>>
    tpu.wait_dma2 semaphore(%arg35 : memref<!tpu.dma_semaphore, #tpu.memory_space<semaphore_mem>>) src(%arg10 : memref<64x128xf32, #tpu.memory_space<vmem>>) dst(%dma_wait3A_335 : memref<64x128xf32, #tpu.memory_space<hbm>>)
    %dma_wait3A_336 = arith.constant 0 : i32
    %dma_wait3A_337 = tpu.memref_slice %arg5[%add3A_161, %dma_wait3A_336] : memref<16384x128xf32, #tpu.memory_space<hbm>> -> memref<64x128xf32, #tpu.memory_space<hbm>>
    %dma_wait3A_338 = arith.constant 0 : i32
    %dma_wait3A_339 = tpu.memref_slice %arg5[%add3A_161, %dma_wait3A_338] : memref<16384x128xf32, #tpu.memory_space<hbm>> -> memref<64x128xf32, #tpu.memory_space<hbm>>
    tpu.wait_dma2 semaphore(%arg41 : memref<!tpu.dma_semaphore, #tpu.memory_space<semaphore_mem>>) src(%arg16 : memref<64x128xf32, #tpu.memory_space<vmem>>) dst(%dma_wait3A_339 : memref<64x128xf32, #tpu.memory_space<hbm>>)
    %dma_wait3A_340 = arith.constant 0 : i32
    %dma_wait3A_341 = tpu.memref_slice %arg6[%add3A_187, %dma_wait3A_340] : memref<16384x128xf32, #tpu.memory_space<hbm>> -> memref<64x128xf32, #tpu.memory_space<hbm>>
    %dma_wait3A_342 = arith.constant 0 : i32
    %dma_wait3A_343 = tpu.memref_slice %arg6[%add3A_187, %dma_wait3A_342] : memref<16384x128xf32, #tpu.memory_space<hbm>> -> memref<64x128xf32, #tpu.memory_space<hbm>>
    tpu.wait_dma2 semaphore(%arg36 : memref<!tpu.dma_semaphore, #tpu.memory_space<semaphore_mem>>) src(%arg11 : memref<64x128xf32, #tpu.memory_space<vmem>>) dst(%dma_wait3A_343 : memref<64x128xf32, #tpu.memory_space<hbm>>)
    %dma_wait3A_344 = arith.constant 0 : i32
    %dma_wait3A_345 = tpu.memref_slice %arg5[%add3A_187, %dma_wait3A_344] : memref<16384x128xf32, #tpu.memory_space<hbm>> -> memref<64x128xf32, #tpu.memory_space<hbm>>
    %dma_wait3A_346 = arith.constant 0 : i32
    %dma_wait3A_347 = tpu.memref_slice %arg5[%add3A_187, %dma_wait3A_346] : memref<16384x128xf32, #tpu.memory_space<hbm>> -> memref<64x128xf32, #tpu.memory_space<hbm>>
    tpu.wait_dma2 semaphore(%arg42 : memref<!tpu.dma_semaphore, #tpu.memory_space<semaphore_mem>>) src(%arg17 : memref<64x128xf32, #tpu.memory_space<vmem>>) dst(%dma_wait3A_347 : memref<64x128xf32, #tpu.memory_space<hbm>>)
    %dma_wait3A_348 = arith.constant 0 : i32
    %dma_wait3A_349 = tpu.memref_slice %arg6[%add3A_213, %dma_wait3A_348] : memref<16384x128xf32, #tpu.memory_space<hbm>> -> memref<64x128xf32, #tpu.memory_space<hbm>>
    %dma_wait3A_350 = arith.constant 0 : i32
    %dma_wait3A_351 = tpu.memref_slice %arg6[%add3A_213, %dma_wait3A_350] : memref<16384x128xf32, #tpu.memory_space<hbm>> -> memref<64x128xf32, #tpu.memory_space<hbm>>
    tpu.wait_dma2 semaphore(%arg37 : memref<!tpu.dma_semaphore, #tpu.memory_space<semaphore_mem>>) src(%arg12 : memref<64x128xf32, #tpu.memory_space<vmem>>) dst(%dma_wait3A_351 : memref<64x128xf32, #tpu.memory_space<hbm>>)
    %dma_wait3A_352 = arith.constant 0 : i32
    %dma_wait3A_353 = tpu.memref_slice %arg5[%add3A_213, %dma_wait3A_352] : memref<16384x128xf32, #tpu.memory_space<hbm>> -> memref<64x128xf32, #tpu.memory_space<hbm>>
    %dma_wait3A_354 = arith.constant 0 : i32
    %dma_wait3A_355 = tpu.memref_slice %arg5[%add3A_213, %dma_wait3A_354] : memref<16384x128xf32, #tpu.memory_space<hbm>> -> memref<64x128xf32, #tpu.memory_space<hbm>>
    tpu.wait_dma2 semaphore(%arg43 : memref<!tpu.dma_semaphore, #tpu.memory_space<semaphore_mem>>) src(%arg18 : memref<64x128xf32, #tpu.memory_space<vmem>>) dst(%dma_wait3A_355 : memref<64x128xf32, #tpu.memory_space<hbm>>)
    %dma_wait3A_356 = arith.constant 0 : i32
    %dma_wait3A_357 = tpu.memref_slice %arg6[%add3A_239, %dma_wait3A_356] : memref<16384x128xf32, #tpu.memory_space<hbm>> -> memref<64x128xf32, #tpu.memory_space<hbm>>
    %dma_wait3A_358 = arith.constant 0 : i32
    %dma_wait3A_359 = tpu.memref_slice %arg6[%add3A_239, %dma_wait3A_358] : memref<16384x128xf32, #tpu.memory_space<hbm>> -> memref<64x128xf32, #tpu.memory_space<hbm>>
    tpu.wait_dma2 semaphore(%arg38 : memref<!tpu.dma_semaphore, #tpu.memory_space<semaphore_mem>>) src(%arg13 : memref<64x128xf32, #tpu.memory_space<vmem>>) dst(%dma_wait3A_359 : memref<64x128xf32, #tpu.memory_space<hbm>>)
    %dma_wait3A_360 = arith.constant 0 : i32
    %dma_wait3A_361 = tpu.memref_slice %arg5[%add3A_239, %dma_wait3A_360] : memref<16384x128xf32, #tpu.memory_space<hbm>> -> memref<64x128xf32, #tpu.memory_space<hbm>>
    %dma_wait3A_362 = arith.constant 0 : i32
    %dma_wait3A_363 = tpu.memref_slice %arg5[%add3A_239, %dma_wait3A_362] : memref<16384x128xf32, #tpu.memory_space<hbm>> -> memref<64x128xf32, #tpu.memory_space<hbm>>
    tpu.wait_dma2 semaphore(%arg44 : memref<!tpu.dma_semaphore, #tpu.memory_space<semaphore_mem>>) src(%arg19 : memref<64x128xf32, #tpu.memory_space<vmem>>) dst(%dma_wait3A_363 : memref<64x128xf32, #tpu.memory_space<hbm>>)
    return
  }
}

</mosaic_0001>

<sc_bundles>
// kernel: kernel.3.cloned.1.call-start
scs
__scs_entry_jumppad:
0x0: {  	(pc) =	sbr.rel $0x88, $3  }
0x1: {  	(tag) =	ssettag $0x0;
	lr =	simm.s32 $0x1  }
0x2: {  	[smem:$0x3F9E] =	sst lr;
	_ =	strace $0xD0000000  }
0x3: {  	_ = 	snop  }
0x4: {  	_ = 	snop  }
0x5: {  	_ = 	snop  }
0x6: {  	_ = 	snop  }
0x7: {  	_ = 	snop  }
__scs_overlays_trampoline_lowered:
0x8: {  	[smem:$0x3FAD] =	sst s0  }
0x9: {  	[smem:$0x3FAE] =	sst s1  }
0xa: {  	[smem:$0x3FAF] =	sst s2  }
0xb: {  	[smem:$0x3FB0] =	sst s3  }
0xc: {  	[smem:$0x3FB1] =	sst s4  }
0xd: {  	[smem:$0x3FB2] =	sst s5  }
0xe: {  	[smem:$0x3FB3] =	sst s6  }
0xf: {  	[smem:$0x3FB4] =	sst s7  }
0x10: {  	[smem:$0x3FB5] =	sst s8  }
0x11: {  	[smem:$0x3FB6] =	sst s9;
	s0 =	simm.s32 @!p0 $0x0  }
0x12: {  	s1 =	sld [smem:$0x3F9C];
	s0 =	simm.s32 @p0 $0x1  }
0x13: {  	[smem:$0x3FB7] =	sst s0;
	s0 =	simm.s32 @!p1 $0x0  }
0x14: {  	s2 =	sld [smem:$0x3F9B];
	s0 =	simm.s32 @p1 $0x1  }
0x15: {  	[smem:$0x3FB8] =	sst s0;
	s0 =	simm.s32 @!p2 $0x0  }
0x16: {  	s3 =	sld [smem:$0x3FDB];
	s0 =	simm.s32 @p2 $0x1  }
0x17: {  	s4 =	simm.s32 $0x1BF5;
	[smem:$0x3FBA] =	sst s0  }
0x18: {  	s0 =	sld [smem:$0x3F9D];
	_ =	swait.ge [sflag:s4], $0x0  }
0x19: {  	s7 =	sld [smem:$0x3F9E]  }
0x1a: {  	s8 =	sadd.s32 $0xFFFFE003, lr  }
0x1b: {  	s9 =	sadd.s32 $0xFFFFFEF7, lr;
	s5 =	simm.s32 $0xFFFFFFFF;
	p2 =	slt.u32 s8, $0xFFFFF086  }
0x1c: {  	p1 =	slt.u32 s9, $0xF7A;
	s5 =	simm.s32 @!p2 $0x0  }
0x1d: {  	s5 =	simm.s32 @p1 $0x1;
	p0 =	seq.s32 s7, s2  }
0x1e: {  	s7 =	smul.u32 @!p0 $0xF7A, s2;
	p2 =	seq.s32 @!p0 s5, $0x0  }
0x1f: {  	s9 =	smul.u32 $0xF7A, s1;
	s8 =	simm.s32 @!p0 $0x1BF5;
	p2 =	por !p2, p0  }
0x20: {  	[sflag:s8] =	ssyncset.s32 @!p0 $0xFFFFF086;
	s6 =	sadd.s32 @!p0 s3, s7;
	s7 =	simm.s32 @!p0 $0x108  }
0x21: {  	s3 =	sadd.s32 s3, s9;
	s6 =	sadd.s32 @!p0 $0x88, s6;
	s7 =	simm.s32 @p2 $0x1082  }
0x22: {  	[simem:s7], [sflag:s8] =	dma.local @!p0 [hbm:s6], $0xF7A  }
0x23: {  	s9 =	sor.u32 $0xD0000000, s2;
	s6 =	simm.s32 $0x108;
	_ =	swait.ge @!p0 [sflag:s8], $0x0  }
0x24: {  	s3 =	sadd.s32 $0x88, s3;
	s6 =	simm.s32 @!p1 $0x1082;
	[sflag:s4] =	ssyncset.s32 $0xFFFFF086  }
0x25: {  	[simem:s6], [sflag:s4] =	dma.local [hbm:s3], $0xF7A  }
0x26: {  	[smem:$0x3F9E] =	sst s1;
	(tag) =	ssettag s2;
	_ =	strace s9  }
0x27: {  	s1 =	sld [smem:$0x3FAE]  }
0x28: {  	s2 =	sld [smem:$0x3FAF]  }
0x29: {  	s4 =	sld [smem:$0x3FB1]  }
0x2a: {  	p0 =	seq.s32 s5, $0x0;
	s5 =	sld [smem:$0x3FB2]  }
0x2b: {  	s6 =	sld [smem:$0x3FB3]  }
0x2c: {  	s7 =	sld [smem:$0x3FB4]  }
0x2d: {  	s3 =	simm.s32 $0x108;
	s8 =	sld [smem:$0x3FB5]  }
0x2e: {  	s3 =	simm.s32 @!p0 $0x1082;
	s9 =	sld [smem:$0x3FB6]  }
0x2f: {  	lr =	sadd.s32 s0, s3;
	s0 =	sld [smem:$0x3FAD]  }
0x30: {  	s3 =	sld [smem:$0x3FB0]  }
0x31: {  	[smem:$0x3FB9] =	sst s10  }
0x32: {  	s10 =	sld [smem:$0x3FB7];
	_ =	sdelay $0x3  }
0x33: {  	p0 =	seq.s32 s10, $0x1;
	s10 =	sld [smem:$0x3FB9];
	_ =	sdelay $0x3  }
0x34: {  	[smem:$0x3FB9] =	sst s10  }
0x35: {  	s10 =	sld [smem:$0x3FB8];
	_ =	sdelay $0x3  }
0x36: {  	p1 =	seq.s32 s10, $0x1;
	s10 =	sld [smem:$0x3FB9];
	_ =	sdelay $0x3  }
0x37: {  	[smem:$0x3FB9] =	sst s10  }
0x38: {  	s10 =	sld [smem:$0x3FBA]  }
0x39: {  	_ = 	snop;
	(pc) =	sbr.ind lr, $3  }
0x3a: {  	_ = 	snop  }
0x3b: {  	_ = 	snop  }
0x3c: {  	p2 =	seq.s32 s10, $0x1;
	s10 =	sld [smem:$0x3FB9]  }
0x3d: {  	_ =	shalt  }
0x3e: {  	_ =	shalt  }
0x3f: {  	_ =	shalt  }
0x40: {  	_ =	shalt  }
0x41: {  	_ =	shalt  }
0x42: {  	_ =	shalt  }
0x43: {  	_ =	shalt  }
0x44: {  	_ =	shalt  }
0x45: {  	_ =	shalt  }
0x46: {  	_ =	shalt  }
0x47: {  	_ =	shalt  }
0x48: {  	_ =	shalt  }
0x49: {  	_ =	shalt  }
0x4a: {  	_ =	shalt  }
0x4b: {  	_ =	shalt  }
0x4c: {  	_ =	shalt  }
0x4d: {  	_ =	shalt  }
0x4e: {  	_ =	shalt  }
0x4f: {  	_ =	shalt  }
0x50: {  	_ =	shalt  }
0x51: {  	_ =	shalt  }
0x52: {  	_ =	shalt  }
0x53: {  	_ =	shalt  }
0x54: {  	_ =	shalt  }
0x55: {  	_ =	shalt  }
0x56: {  	_ =	shalt  }
0x57: {  	_ =	shalt  }
0x58: {  	_ =	shalt  }
0x59: {  	_ =	shalt  }
0x5a: {  	_ =	shalt  }
0x5b: {  	_ =	shalt  }
0x5c: {  	_ =	shalt  }
0x5d: {  	_ =	shalt  }
0x5e: {  	_ =	shalt  }
0x5f: {  	_ =	shalt  }
0x60: {  	_ =	shalt  }
0x61: {  	_ =	shalt  }
0x62: {  	_ =	shalt  }
0x63: {  	_ =	shalt  }
0x64: {  	_ =	shalt  }
0x65: {  	_ =	shalt  }
0x66: {  	_ =	shalt  }
0x67: {  	_ =	shalt  }
0x68: {  	_ =	shalt  }
0x69: {  	_ =	shalt  }
0x6a: {  	_ =	shalt  }
0x6b: {  	_ =	shalt  }
0x6c: {  	_ =	shalt  }
0x6d: {  	_ =	shalt  }
0x6e: {  	_ =	shalt  }
0x6f: {  	_ =	shalt  }
0x70: {  	_ =	shalt  }
0x71: {  	_ =	shalt  }
0x72: {  	_ =	shalt  }
0x73: {  	_ =	shalt  }
0x74: {  	_ =	shalt  }
0x75: {  	_ =	shalt  }
0x76: {  	_ =	shalt  }
0x77: {  	_ =	shalt  }
0x78: {  	_ =	shalt  }
0x79: {  	_ =	shalt  }
0x7a: {  	_ =	shalt  }
0x7b: {  	_ =	shalt  }
0x7c: {  	_ =	shalt  }
0x7d: {  	_ =	shalt  }
0x7e: {  	_ =	shalt  }
0x7f: {  	_ =	shalt  }
0x80: {  	_ =	shalt  }
0x81: {  	_ =	shalt  }
0x82: {  	_ =	shalt  }
0x83: {  	_ =	shalt  }
0x84: {  	_ =	shalt  }
0x85: {  	_ =	shalt  }
0x86: {  	_ =	shalt  }
0x87: {  	_ =	shalt  }
.Lfunc_end0:
.L_simem_size_0:
called_computation_lowered:
.L_overlay_start_0:
0x88: {  	s2 =	sld [smem:$0x3FD9]  }
0x89: {  	s3 =	sld [smem:$0x3FFE];
	_ =	sdelay $0x1  }
0x8a: {  	s1 =	srdreg.scid  }
0x8b: {  	s0 =	sand.u32 $0x1, s1  }
0x8c: {  	s15 =	sshll.u32 s0, $0xA;
	s2 =	sadd.s32 s3, s2  }
0x8d: {  	s2 =	sadd.s32 s2, s15  }
0x8e: {  	[smem:$0x3FC5] =	sst s2  }
0x8f: {  	_ = 	snop  }
0x90: {  	s2 =	sld [smem:$0x3FD0]  }
0x91: {  	s16 =	sld [smem:$0x3FC9]  }
0x92: {  	s4 =	sld [smem:$0x3FC8]  }
0x93: {  	s6 =	simm.s32 $0xA;
	s7 =	simm.s32 $0x10;
	s5 =	sld [smem:$0x3FC7]  }
0x94: {  	[smem:s7], [sflag:s6] =	dma.local [hbm:s2], $0x1  }
0x95: {  	_ =	swait.eq [sflag:s6], $0x1  }
0x96: {  	[sflag:s6] =	ssyncset.done $0x0  }
0x97: {  	s17 =	sld [smem:$0x10];
	[sflag:s6] =	ssyncadd.s32 $0xFFFFFFFF  }
0x98: {  	s18 =	sld [smem:$0x11];
	(tm) =	ssettm $0x1  }
0x99: {  	s19 =	sld [smem:$0x3FFB];
	_ =	sdelay $0x3  }
0x9a: {  	_ =	strace s19  }
0x9b: {  	s7 =	sld [smem:$0x3FFC];
	_ =	sdelay $0x3  }
0x9c: {  	_ =	strace s7  }
0x9d: {  	s7 =	sld [smem:$0x3FFD];
	_ =	sdelay $0x3  }
0x9e: {  	_ =	strace s7  }
0x9f: {  	_ =	strace $0x8FFFFFFF  }
0xa0: {  	s20 =	sld [smem:$0x3FDB];
	_ =	sdelay $0x1  }
0xa1: {  	s8 =	simm.s32 $_scs_section_size  }
0xa2: {  	s9 =	simm.s32 $_size__tile_overlayer_lowered;
	s10 =	simm.s32 $_tile_overlayer_lowered  }
0xa3: {  	s23 =	simm.s32 $0x1BFF;
	s22 =	sshll.u32 s10, $0x1;
	s7 =	sadd.s32 s8, s20  }
0xa4: {  	s11 =	simm.s32 $0x0;
	s21 =	sshll.u32 s9, $0x1;
	s9 =	sadd.s32 s22, s7  }
0xa5: {  	[timem:s11], [sflag:s23] =	dma.local [hbm:s9], s21  }
0xa6: {  	_ =	swait.ge [sflag:s23], s21  }
0xa7: {  	s8 =	ssub.s32 $0x0, s21;
	[sflag:s23] =	ssyncset.done $0x0  }
0xa8: {  	[sflag:s23] =	ssyncadd.s32 s8;
	_ =	sdelay $0x1  }
0xa9: {  	s24 =	simm.s32 $0x1B8B  }
0xaa: {  	_ =	swait.ge [sflag:s24], $0x1  }
0xab: {  	[sflag:s24] =	ssyncset.done $0x0  }
0xac: {  	s25 =	simm.s32 $0x1B8E;
	[sflag:s24] =	ssyncadd.s32 $0xFFFFFFFF  }
0xad: {  	s26 =	simm.s32 $execute0_lowered;
	[smem:$0x3FD2] =	sst s25  }
0xae: {  	s8 =	sshll.u32 s26, $0x1;
	_ =	strace $0x80000046;
	[dreg:$0x1] =	wrdreg $0xFFFFFFFF  }
0xaf: {  	s28 =	simm.s32 $_size_execute0_lowered;
	s7 =	sadd.s32 s7, s8;
	[dreg:$0x0] =	wrdreg $0x0  }
0xb0: {  	s8 =	sshll.u32 s28, $0x1;
	[dreg:$0x2] =	wrdreg s7  }
0xb1: {  	[dreg:$0x3] =	wrdreg s8  }
0xb2: {  	[dreg:$0x4] =	wrdreg $0xC0  }
0xb3: {  	_ =	task [dreg:s11], $0x5FFFF  }
0xb4: {  	[dreg:$0x1] =	wrdreg $0xFFFFFFFF  }
0xb5: {  	[dreg:$0x0] =	wrdreg $0x60  }
0xb6: {  	[dreg:$0x2] =	wrdreg s16  }
0xb7: {  	[dreg:$0x3] =	wrdreg s4  }
0xb8: {  	[dreg:$0x4] =	wrdreg s5  }
0xb9: {  	[dreg:$0x5] =	wrdreg s17  }
0xba: {  	[dreg:$0x6] =	wrdreg s18  }
0xbb: {  	[dreg:$0x7] =	wrdreg $0x9  }
0xbc: {  	_ =	task.clear_ibuf [dreg:s11], $0x8FFFF;
	_ =	strace $0x90000046  }
0xbd: {  	s29 =	simm.s32 $0x9;
	_ =	strace $0x80000048  }
0xbe: {  	_ =	swait.ge [sflag:s29], $0x1  }
0xbf: {  	[sflag:s29] =	ssyncadd.s32 $0xFFFFFFFF  }
0xc0: {  	_ =	strace $0x90000048  }
0xc1: {  	_ =	sfence  }
0xc2: {  	s30 =	sld [smem:$0x0];
	_ =	sdelay $0x2  }
0xc3: {  	s31 =	sshll.u32 s1, $0xD;
	s1 =	sshrl.u32 s1, $0x2  }
0xc4: {  	s3 =	sand.u32 $0x4000, s31;
	s1 =	sadd.s32 s1, s30  }
0xc5: {  	s0 =	sor.u32 s3, s0;
	s1 =	sshll.u32 s1, $0x11  }
0xc6: {  	s0 =	sor.u32 s1, s0  }
0xc7: {  	s0 =	sadd.s32 $0x8F2B, s0  }
0xc8: {  	[sflag:s0] =	ssyncadd.remote.s32 $0x1  }
0xc9: {  	_ =	sfence.sel $0xFFFF  }
0xca: {  	[dreg:$0x0] =	wrdreg $0xFFFFFFFF;
	(pc) =	sbr.abs _section_cstart, $3  }
0xcb: {  	[dreg:$0x1] =	wrdreg $0xFFFFFFFF  }
0xcc: {  	_ =	task.clear_ibuf [dreg:s11], $0x2FFFF;
	_ =	strace $0x9FFFFFFF  }
0xcd: {  	(tm) =	ssettm $0x7FFFFFFF  }
tec
execute0_lowered:
.L_overlay_start_1:
0x0: {  	(tag) =	ssettag $0x1  }
0x1: {  	s0 =	rddreg [dreg:$0x0];
	s5 =	srdreg.scid  }
0x2: {  	s2 =	rddreg [dreg:$0x1];
	s7 =	stileid.u32;
	s5 =	sand.u32 $0x1, s5  }
0x3: {  	s7 =	sshll.u32 s7, $0xA;
	s6 =	ssub.s32 $0x2, s5;
	s5 =	sshll.u32 s5, $0x9  }
0x4: {  	s3 =	rddreg [dreg:$0x3];
	s5 =	sor.u32 s5, s7  }
0x5: {  	s4 =	rddreg [dreg:$0x4];
	s1 =	simm.s32 $0x0;
	s7 =	sshrl.u32 s5, $0x3  }
0x6: {  	[smem:$0x7FF] =	sst s1;
	s5 =	sshll.u32 s5, $0x4;
	s0 =	sadd.s32 s0, s7  }
0x7: {  	s17 =	sadd.s32 s2, s5;
	[dreg:$0x6] =	wrdreg s0  }
0x8: {  	s23 =	sadd.s32 s4, s5;
	[dreg:$0x7] =	wrdreg s17  }
0x9: {  	s28 =	simm.s32 $0x7;
	s24 =	sadd.s32 s3, s5;
	[dreg:$0xd] =	wrdreg s23  }
0xa: {  	s29 =	simm.s32 $0x16;
	s15 =	sor.u32 $0x400, s5;
	[dreg:$0xe] =	wrdreg s24  }
0xb: {  	s16 =	sor.u32 $0x800, s5;
	s18 =	sadd.s32 s2, s15;
	s24 =	rddreg [dreg:$0x2]  }
0xc: {  	s20 =	sor.u32 $0xC00, s5;
	s19 =	sadd.s32 s2, s16;
	[dreg:$0x8] =	wrdreg s18  }
0xd: {  	s9 =	sor.u32 $0x1000, s5;
	s11 =	sadd.s32 s2, s20;
	[dreg:$0x9] =	wrdreg s19  }
0xe: {  	s10 =	sor.u32 $0x1400, s5;
	s21 =	sadd.s32 s2, s9;
	[dreg:$0xa] =	wrdreg s11  }
0xf: {  	s25 =	sor.u32 $0x1800, s5;
	s22 =	sadd.s32 s2, s10;
	[dreg:$0xb] =	wrdreg s21  }
0x10: {  	s30 =	simm.s32 $0x17;
	s12 =	sadd.s32 s2, s25;
	[dreg:$0xc] =	wrdreg s22  }
0x11: {  	s31 =	simm.s32 $0x19;
	s26 =	sadd.s32 s4, s15;
	[dreg:$0xf] =	wrdreg s12  }
0x12: {  	s8 =	sshrl.u32 s6, $0x1;
	s0 =	sadd.s32 s3, s15;
	[dreg:$0x10] =	wrdreg s26  }
0x13: {  	s6 =	ssub.s32 s6, s8;
	s13 =	sadd.s32 s4, s16;
	[dreg:$0x11] =	wrdreg s0  }
0x14: {  	s8 =	simm.s32 $0x10;
	s14 =	sadd.s32 s3, s16;
	[dreg:$0x13] =	wrdreg s13  }
0x15: {  	s5 =	sor.u32 $0x1C00, s5;
	s15 =	sadd.s32 s4, s20;
	[dreg:$0x14] =	wrdreg s14  }
0x16: {  	s7 =	simm.s32 $0xD;
	s16 =	sadd.s32 s3, s20;
	[dreg:$0x15] =	wrdreg s15  }
0x17: {  	s17 =	sadd.s32 s4, s9;
	s20 =	sadd.s32 s3, s10;
	[dreg:$0x16] =	wrdreg s16  }
0x18: {  	s23 =	sadd.s32 s4, s5;
	s12 =	sadd.s32 s2, s5;
	[dreg:$0x17] =	wrdreg s17  }
0x19: {  	s18 =	sadd.s32 s3, s9;
	s19 =	sadd.s32 s4, s10;
	[dreg:$0x1a] =	wrdreg s20  }
0x1a: {  	s21 =	sadd.s32 s4, s25;
	s22 =	sadd.s32 s3, s25;
	[dreg:$0x1d] =	wrdreg s23  }
0x1b: {  	s25 =	sadd.s32 s3, s5;
	s26 =	smax.u32 s6, $0x1;
	s0 =	simm.s32 $0x200  }
0x1c: {  	s2 =	simm.s32 $0xC200;
	s3 =	simm.s32 $0x2200;
	s4 =	simm.s32 $0xE200  }
0x1d: {  	s13 =	simm.s32 $0x2;
	s14 =	simm.s32 $0x8;
	[dreg:$0x12] =	wrdreg s12  }
0x1e: {  	s15 =	simm.s32 $0xE;
	s16 =	simm.s32 $0x14;
	[dreg:$0x18] =	wrdreg s18  }
0x1f: {  	s17 =	simm.s32 $0x3;
	s20 =	simm.s32 $0x15;
	[dreg:$0x19] =	wrdreg s19  }
0x20: {  	s6 =	simm.s32 $0x6;
	s9 =	simm.s32 $0x11;
	[dreg:$0x1b] =	wrdreg s21  }
0x21: {  	s10 =	simm.s32 $0x12;
	s11 =	simm.s32 $0x18;
	[dreg:$0x1c] =	wrdreg s22  }
0x22: {  	[dreg:$0x1e] =	wrdreg s25;
	s21 =	simm.s32 $0x40;
	s18 =	simm.s32 $0x9  }
0x23: {  	s19 =	simm.s32 $0xF;
	s12 =	simm.s32 $0x13;
	s22 =	simm.s32 $0x0  }
0x24: {  	_ =	strace $0x80000047;
	[dreg:$0x1f] =	wrdreg s26;
	s26 =	simm.s32 $0xC  }
.LBB2_1:
0x25: {  	s5 =	rddreg [dreg:$0x6];
	s23 =	simm.s32 $0x1  }
0x26: {  	[tilespmem:s1], [sflag:$0x1] =	stream.linear.gather [hbm4b:s5+s1], $0x200, $0x38;
	[tilespmem:$0x18200] =	vst v63  }
0x27: {  	_ =	swait.ge [sflag:s23], $0x200  }
0x28: {  	[sflag:s23] =	ssyncset.done $0x0  }
0x29: {  	[sflag:s23] =	ssyncadd.s32 $0xFFFFFE00  }
0x2a: {  	[tilespmem:s0], [sflag:$0x2] =	stream.indirect.gather [hbm4b:s24+s21], $0x80, s1, s21, $0xb8;
	[tilespmem:$0x18200] =	vst v63  }
0x2b: {  	s25 =	rddreg [dreg:$0x7]  }
0x2c: {  	[tilespmem:s2], [sflag:$0x8] =	stream.linear.gather [hbm4b:s25+s1], $0x2000, $0x38;
	[tilespmem:$0x18200] =	vst v63  }
0x2d: {  	_ = 	snop  }
0x2e: {  	[tilespmem:s3], [sflag:$0x3] =	stream.indirect.gather [hbm4b:s24+s21], $0x80, s21, s21, $0xb8;
	[tilespmem:$0x18200] =	vst v63  }
0x2f: {  	s23 =	rddreg [dreg:$0x8]  }
0x30: {  	[tilespmem:s4], [sflag:$0x9] =	stream.linear.gather [hbm4b:s23+s1], $0x2000, $0x38;
	[tilespmem:$0x18200] =	vst v63  }
0x31: {  	s25 =	simm.s32 $0x80;
	s23 =	simm.s32 $0x4200  }
0x32: {  	[tilespmem:s23], [sflag:$0x4] =	stream.indirect.gather [hbm4b:s24+s21], $0x80, s25, s21, $0xb8;
	[tilespmem:$0x18200] =	vst v63  }
0x33: {  	s23 =	rddreg [dreg:$0x9];
	s25 =	simm.s32 $0x10200  }
0x34: {  	[tilespmem:s25], [sflag:$0xA] =	stream.linear.gather [hbm4b:s23+s1], $0x2000, $0x38;
	[tilespmem:$0x18200] =	vst v63  }
0x35: {  	s23 =	simm.s32 $0xC0;
	s25 =	simm.s32 $0x6200  }
0x36: {  	[tilespmem:s25], [sflag:$0x5] =	stream.indirect.gather [hbm4b:s24+s21], $0x80, s23, s21, $0xb8;
	[tilespmem:$0x18200] =	vst v63  }
0x37: {  	s23 =	rddreg [dreg:$0xa];
	s25 =	simm.s32 $0x12200  }
0x38: {  	[tilespmem:s25], [sflag:$0xB] =	stream.linear.gather [hbm4b:s23+s1], $0x2000, $0x38;
	[tilespmem:$0x18200] =	vst v63  }
0x39: {  	s23 =	simm.s32 $0x100;
	s25 =	simm.s32 $0x8200  }
0x3a: {  	[tilespmem:s25], [sflag:$0x6] =	stream.indirect.gather [hbm4b:s24+s21], $0x80, s23, s21, $0xb8;
	[tilespmem:$0x18200] =	vst v63  }
0x3b: {  	s23 =	rddreg [dreg:$0xb];
	s25 =	simm.s32 $0x14200  }
0x3c: {  	[tilespmem:s25], [sflag:$0xC] =	stream.linear.gather [hbm4b:s23+s1], $0x2000, $0x38;
	[tilespmem:$0x18200] =	vst v63  }
0x3d: {  	s23 =	simm.s32 $0x140;
	s25 =	simm.s32 $0xA200  }
0x3e: {  	[tilespmem:s25], [sflag:$0x7] =	stream.indirect.gather [hbm4b:s24+s21], $0x80, s23, s21, $0xb8;
	[tilespmem:$0x18200] =	vst v63  }
0x3f: {  	s23 =	rddreg [dreg:$0xc];
	s25 =	simm.s32 $0x16200  }
0x40: {  	[tilespmem:s25], [sflag:$0xD] =	stream.linear.gather [hbm4b:s23+s1], $0x2000, $0x38;
	[tilespmem:$0x18200] =	vst v63  }
0x41: {  	_ =	swait.ge [sflag:s13], $0x2000  }
0x42: {  	[sflag:s13] =	ssyncset.done $0x0  }
0x43: {  	s25 =	rddreg [dreg:$0xd];
	[sflag:s13] =	ssyncadd.s32 $0xFFFFE000  }
0x44: {  	[hbm4b:s25+s1] =	stream.linear.scatter [tilespmem:s0], [sflag:$0xE], $0x2000, $0x38;
	[tilespmem:$0x18200] =	vst v63  }
0x45: {  	_ =	swait.ge [sflag:s14], $0x2000  }
0x46: {  	[sflag:s14] =	ssyncset.done $0x0  }
0x47: {  	s23 =	simm.s32 $0x0;
	[sflag:s14] =	ssyncadd.s32 $0xFFFFE000  }
0x48: {  	v7 =	vld [tilespmem:s23+$0x200]  }
0x49: {  	v11 =	vld [tilespmem:s23+$0x210]  }
0x4a: {  	v5 =	vld [tilespmem:s23+$0x220]  }
0x4b: {  	v4 =	vld [tilespmem:s23+$0x230]  }
0x4c: {  	v3 =	vld [tilespmem:s23+$0x240]  }
0x4d: {  	v2 =	vld [tilespmem:s23+$0x250]  }
0x4e: {  	v1 =	vld [tilespmem:s23+$0x260]  }
0x4f: {  	v0 =	vld [tilespmem:s23+$0x270]  }
0x50: {  	v12 =	vld [tilespmem:s23+$0xC200]  }
0x51: {  	v13 =	vld [tilespmem:s23+$0xC210]  }
0x52: {  	v10 =	vld [tilespmem:s23+$0xC220]  }
0x53: {  	v9 =	vld [tilespmem:s23+$0xC230]  }
0x54: {  	v8 =	vld [tilespmem:s23+$0xC240]  }
0x55: {  	v6 =	vld [tilespmem:s23+$0xC250];
	v12 =	vmul.f32 v7, v12  }
0x56: {  	s5 =	simm.s32 $0x200;
	v11 =	vmul.f32 v11, v13;
	v7 =	vld [tilespmem:s23+$0xC260]  }
.LBB2_2:
0x57: {  	s25 =	sshra.s32 s5, $0x2;
	p0 =	sne.s32 s5, $0x7E00;
	[tilespmem:s23+$0xC200] =	vst v12;
	v5 =	vmul.f32 v5, v10;
	v10 =	vld [tilespmem:s23+$0xC270]  }
0x58: {  	v12 =	vld [tilespmem:s25+$0x200];
	[tilespmem:s23+$0xC210] =	vst v11;
	v4 =	vmul.f32 v4, v9  }
0x59: {  	v11 =	vld [tilespmem:s25+$0x210];
	[tilespmem:s23+$0xC220] =	vst v5;
	v3 =	vmul.f32 v3, v8  }
0x5a: {  	v5 =	vld [tilespmem:s25+$0x220];
	[tilespmem:s23+$0xC230] =	vst v4;
	v2 =	vmul.f32 v2, v6  }
0x5b: {  	v4 =	vld [tilespmem:s25+$0x230];
	[tilespmem:s23+$0xC240] =	vst v3;
	v1 =	vmul.f32 v1, v7  }
0x5c: {  	v3 =	vld [tilespmem:s25+$0x240];
	[tilespmem:s23+$0xC250] =	vst v2;
	v0 =	vmul.f32 v0, v10  }
0x5d: {  	v2 =	vld [tilespmem:s25+$0x250];
	[tilespmem:s23+$0xC260] =	vst v1  }
0x5e: {  	v1 =	vld [tilespmem:s25+$0x260];
	[tilespmem:s23+$0xC270] =	vst v0;
	s23 =	smov.u32 s25  }
0x5f: {  	v0 =	vld [tilespmem:s23+$0x270]  }
0x60: {  	v6 =	vld [tilespmem:s23+$0xC200]  }
0x61: {  	v7 =	vld [tilespmem:s23+$0xC210]  }
.Ltmp0:
0x62: {  	v10 =	vld [tilespmem:s23+$0xC220];
	(pc) =	sbr.rel @p0 .LBB2_2-.Ltmp0, $4  }
0x63: {  	v9 =	vld [tilespmem:s23+$0xC230]  }
0x64: {  	v8 =	vld [tilespmem:s23+$0xC240]  }
0x65: {  	v12 =	vmul.f32 v12, v6;
	v6 =	vld [tilespmem:s23+$0xC250]  }
0x66: {  	s5 =	sadd.s32 $0x200, s5;
	v11 =	vmul.f32 v11, v7;
	v7 =	vld [tilespmem:s23+$0xC260]  }
0x67: {  	[tilespmem:s23+$0xC200] =	vst v12;
	v5 =	vmul.f32 v5, v10;
	v10 =	vld [tilespmem:s23+$0xC270]  }
0x68: {  	[tilespmem:s23+$0xC210] =	vst v11;
	v4 =	vmul.f32 v4, v9  }
0x69: {  	[tilespmem:s23+$0xC220] =	vst v5;
	v3 =	vmul.f32 v3, v8  }
0x6a: {  	[tilespmem:s23+$0xC230] =	vst v4;
	v2 =	vmul.f32 v2, v6  }
0x6b: {  	[tilespmem:s23+$0xC240] =	vst v3;
	v1 =	vmul.f32 v1, v7  }
0x6c: {  	[tilespmem:s23+$0xC250] =	vst v2;
	v0 =	vmul.f32 v0, v10  }
0x6d: {  	[tilespmem:s23+$0xC260] =	vst v1  }
0x6e: {  	s5 =	simm.s32 $0x0;
	s25 =	rddreg [dreg:$0xe];
	[tilespmem:s23+$0xC270] =	vst v0  }
0x6f: {  	[hbm4b:s25+s5] =	stream.linear.scatter [tilespmem:s2], [sflag:$0x14], $0x2000, $0x38;
	[tilespmem:$0x18200] =	vst v63  }
0x70: {  	_ =	swait.ge [sflag:s15], $0x2000  }
0x71: {  	[sflag:s15] =	ssyncset.done $0x0  }
0x72: {  	s25 =	simm.s32 $0x180;
	[sflag:s15] =	ssyncadd.s32 $0xFFFFE000  }
0x73: {  	[tilespmem:s0], [sflag:$0x2] =	stream.indirect.gather [hbm4b:s24+s21], $0x80, s25, s21, $0xb8;
	[tilespmem:$0x18200] =	vst v63  }
0x74: {  	_ =	swait.ge [sflag:s16], $0x2000  }
0x75: {  	[sflag:s16] =	ssyncset.done $0x0  }
0x76: {  	s25 =	rddreg [dreg:$0xf];
	[sflag:s16] =	ssyncadd.s32 $0xFFFFE000  }
0x77: {  	[tilespmem:s2], [sflag:$0x8] =	stream.linear.gather [hbm4b:s25+s5], $0x2000, $0x38;
	[tilespmem:$0x18200] =	vst v63  }
0x78: {  	_ =	swait.ge [sflag:s17], $0x2000  }
0x79: {  	[sflag:s17] =	ssyncset.done $0x0  }
0x7a: {  	s25 =	rddreg [dreg:$0x10];
	[sflag:s17] =	ssyncadd.s32 $0xFFFFE000  }
0x7b: {  	[hbm4b:s25+s5] =	stream.linear.scatter [tilespmem:s3], [sflag:$0xF], $0x2000, $0x38;
	[tilespmem:$0x18200] =	vst v63  }
0x7c: {  	_ =	swait.ge [sflag:s18], $0x2000  }
0x7d: {  	[sflag:s18] =	ssyncset.done $0x0  }
0x7e: {  	s23 =	simm.s32 $0x0;
	[sflag:s18] =	ssyncadd.s32 $0xFFFFE000  }
0x7f: {  	v7 =	vld [tilespmem:s23+$0x2200]  }
0x80: {  	v11 =	vld [tilespmem:s23+$0x2210]  }
0x81: {  	v5 =	vld [tilespmem:s23+$0x2220]  }
0x82: {  	v4 =	vld [tilespmem:s23+$0x2230]  }
0x83: {  	v3 =	vld [tilespmem:s23+$0x2240]  }
0x84: {  	v2 =	vld [tilespmem:s23+$0x2250]  }
0x85: {  	v1 =	vld [tilespmem:s23+$0x2260]  }
0x86: {  	v0 =	vld [tilespmem:s23+$0x2270]  }
0x87: {  	v12 =	vld [tilespmem:s23+$0xE200]  }
0x88: {  	v13 =	vld [tilespmem:s23+$0xE210]  }
0x89: {  	v10 =	vld [tilespmem:s23+$0xE220]  }
0x8a: {  	v9 =	vld [tilespmem:s23+$0xE230]  }
0x8b: {  	v8 =	vld [tilespmem:s23+$0xE240]  }
0x8c: {  	v6 =	vld [tilespmem:s23+$0xE250];
	v12 =	vmul.f32 v7, v12  }
0x8d: {  	s5 =	simm.s32 $0x200;
	v11 =	vmul.f32 v11, v13;
	v7 =	vld [tilespmem:s23+$0xE260]  }
.LBB2_4:
0x8e: {  	s25 =	sshra.s32 s5, $0x2;
	p0 =	sne.s32 s5, $0x7E00;
	[tilespmem:s23+$0xE200] =	vst v12;
	v5 =	vmul.f32 v5, v10;
	v10 =	vld [tilespmem:s23+$0xE270]  }
0x8f: {  	v12 =	vld [tilespmem:s25+$0x2200];
	[tilespmem:s23+$0xE210] =	vst v11;
	v4 =	vmul.f32 v4, v9  }
0x90: {  	v11 =	vld [tilespmem:s25+$0x2210];
	[tilespmem:s23+$0xE220] =	vst v5;
	v3 =	vmul.f32 v3, v8  }
0x91: {  	v5 =	vld [tilespmem:s25+$0x2220];
	[tilespmem:s23+$0xE230] =	vst v4;
	v2 =	vmul.f32 v2, v6  }
0x92: {  	v4 =	vld [tilespmem:s25+$0x2230];
	[tilespmem:s23+$0xE240] =	vst v3;
	v1 =	vmul.f32 v1, v7  }
0x93: {  	v3 =	vld [tilespmem:s25+$0x2240];
	[tilespmem:s23+$0xE250] =	vst v2;
	v0 =	vmul.f32 v0, v10  }
0x94: {  	v2 =	vld [tilespmem:s25+$0x2250];
	[tilespmem:s23+$0xE260] =	vst v1  }
0x95: {  	v1 =	vld [tilespmem:s25+$0x2260];
	[tilespmem:s23+$0xE270] =	vst v0;
	s23 =	smov.u32 s25  }
0x96: {  	v0 =	vld [tilespmem:s23+$0x2270]  }
0x97: {  	v6 =	vld [tilespmem:s23+$0xE200]  }
0x98: {  	v7 =	vld [tilespmem:s23+$0xE210]  }
.Ltmp1:
0x99: {  	v10 =	vld [tilespmem:s23+$0xE220];
	(pc) =	sbr.rel @p0 .LBB2_4-.Ltmp1, $4  }
0x9a: {  	v9 =	vld [tilespmem:s23+$0xE230]  }
0x9b: {  	v8 =	vld [tilespmem:s23+$0xE240]  }
0x9c: {  	v12 =	vmul.f32 v12, v6;
	v6 =	vld [tilespmem:s23+$0xE250]  }
0x9d: {  	s5 =	sadd.s32 $0x200, s5;
	v11 =	vmul.f32 v11, v7;
	v7 =	vld [tilespmem:s23+$0xE260]  }
0x9e: {  	[tilespmem:s23+$0xE200] =	vst v12;
	v5 =	vmul.f32 v5, v10;
	v10 =	vld [tilespmem:s23+$0xE270]  }
0x9f: {  	[tilespmem:s23+$0xE210] =	vst v11;
	v4 =	vmul.f32 v4, v9  }
0xa0: {  	[tilespmem:s23+$0xE220] =	vst v5;
	v3 =	vmul.f32 v3, v8  }
0xa1: {  	[tilespmem:s23+$0xE230] =	vst v4;
	v2 =	vmul.f32 v2, v6  }
0xa2: {  	[tilespmem:s23+$0xE240] =	vst v3;
	v1 =	vmul.f32 v1, v7  }
0xa3: {  	[tilespmem:s23+$0xE250] =	vst v2;
	v0 =	vmul.f32 v0, v10  }
0xa4: {  	[tilespmem:s23+$0xE260] =	vst v1  }
0xa5: {  	s5 =	simm.s32 $0x0;
	s25 =	rddreg [dreg:$0x11];
	[tilespmem:s23+$0xE270] =	vst v0  }
0xa6: {  	[hbm4b:s25+s5] =	stream.linear.scatter [tilespmem:s4], [sflag:$0x15], $0x2000, $0x38;
	[tilespmem:$0x18200] =	vst v63  }
0xa7: {  	_ =	swait.ge [sflag:s19], $0x2000  }
0xa8: {  	[sflag:s19] =	ssyncset.done $0x0  }
0xa9: {  	s25 =	simm.s32 $0x1C0;
	[sflag:s19] =	ssyncadd.s32 $0xFFFFE000  }
0xaa: {  	[tilespmem:s3], [sflag:$0x3] =	stream.indirect.gather [hbm4b:s24+s21], $0x80, s25, s21, $0xb8;
	[tilespmem:$0x18200] =	vst v63  }
0xab: {  	_ =	swait.ge [sflag:s20], $0x2000  }
0xac: {  	[sflag:s20] =	ssyncset.done $0x0  }
0xad: {  	s25 =	rddreg [dreg:$0x12];
	[sflag:s20] =	ssyncadd.s32 $0xFFFFE000  }
0xae: {  	[tilespmem:s4], [sflag:$0x9] =	stream.linear.gather [hbm4b:s25+s5], $0x2000, $0x38;
	[tilespmem:$0x18200] =	vst v63  }
0xaf: {  	s25 =	simm.s32 $0x4  }
0xb0: {  	_ =	swait.ge [sflag:s25], $0x2000  }
0xb1: {  	[sflag:s25] =	ssyncset.done $0x0  }
0xb2: {  	s23 =	rddreg [dreg:$0x13];
	[sflag:s25] =	ssyncadd.s32 $0xFFFFE000;
	s25 =	simm.s32 $0x4200  }
0xb3: {  	[hbm4b:s23+s5] =	stream.linear.scatter [tilespmem:s25], [sflag:$0x10], $0x2000, $0x38;
	[tilespmem:$0x18200] =	vst v63  }
0xb4: {  	s25 =	simm.s32 $0xA  }
0xb5: {  	_ =	swait.ge [sflag:s25], $0x2000  }
0xb6: {  	[sflag:s25] =	ssyncset.done $0x0  }
0xb7: {  	s23 =	simm.s32 $0x0;
	[sflag:s25] =	ssyncadd.s32 $0xFFFFE000  }
0xb8: {  	v7 =	vld [tilespmem:s23+$0x4200]  }
0xb9: {  	v11 =	vld [tilespmem:s23+$0x4210]  }
0xba: {  	v5 =	vld [tilespmem:s23+$0x4220]  }
0xbb: {  	v4 =	vld [tilespmem:s23+$0x4230]  }
0xbc: {  	v3 =	vld [tilespmem:s23+$0x4240]  }
0xbd: {  	v2 =	vld [tilespmem:s23+$0x4250]  }
0xbe: {  	v1 =	vld [tilespmem:s23+$0x4260]  }
0xbf: {  	v0 =	vld [tilespmem:s23+$0x4270]  }
0xc0: {  	v12 =	vld [tilespmem:s23+$0x10200]  }
0xc1: {  	v13 =	vld [tilespmem:s23+$0x10210]  }
0xc2: {  	v10 =	vld [tilespmem:s23+$0x10220]  }
0xc3: {  	v9 =	vld [tilespmem:s23+$0x10230]  }
0xc4: {  	v8 =	vld [tilespmem:s23+$0x10240]  }
0xc5: {  	v6 =	vld [tilespmem:s23+$0x10250];
	v12 =	vmul.f32 v7, v12  }
0xc6: {  	s5 =	simm.s32 $0x200;
	v11 =	vmul.f32 v11, v13;
	v7 =	vld [tilespmem:s23+$0x10260]  }
.LBB2_6:
0xc7: {  	s25 =	sshra.s32 s5, $0x2;
	p0 =	sne.s32 s5, $0x7E00;
	[tilespmem:s23+$0x10200] =	vst v12;
	v5 =	vmul.f32 v5, v10;
	v10 =	vld [tilespmem:s23+$0x10270]  }
0xc8: {  	v12 =	vld [tilespmem:s25+$0x4200];
	[tilespmem:s23+$0x10210] =	vst v11;
	v4 =	vmul.f32 v4, v9  }
0xc9: {  	v11 =	vld [tilespmem:s25+$0x4210];
	[tilespmem:s23+$0x10220] =	vst v5;
	v3 =	vmul.f32 v3, v8  }
0xca: {  	v5 =	vld [tilespmem:s25+$0x4220];
	[tilespmem:s23+$0x10230] =	vst v4;
	v2 =	vmul.f32 v2, v6  }
0xcb: {  	v4 =	vld [tilespmem:s25+$0x4230];
	[tilespmem:s23+$0x10240] =	vst v3;
	v1 =	vmul.f32 v1, v7  }
0xcc: {  	v3 =	vld [tilespmem:s25+$0x4240];
	[tilespmem:s23+$0x10250] =	vst v2;
	v0 =	vmul.f32 v0, v10  }
0xcd: {  	v2 =	vld [tilespmem:s25+$0x4250];
	[tilespmem:s23+$0x10260] =	vst v1  }
0xce: {  	v1 =	vld [tilespmem:s25+$0x4260];
	[tilespmem:s23+$0x10270] =	vst v0;
	s23 =	smov.u32 s25  }
0xcf: {  	v0 =	vld [tilespmem:s23+$0x4270]  }
0xd0: {  	v6 =	vld [tilespmem:s23+$0x10200]  }
0xd1: {  	v7 =	vld [tilespmem:s23+$0x10210]  }
.Ltmp2:
0xd2: {  	v10 =	vld [tilespmem:s23+$0x10220];
	(pc) =	sbr.rel @p0 .LBB2_6-.Ltmp2, $4  }
0xd3: {  	v9 =	vld [tilespmem:s23+$0x10230]  }
0xd4: {  	v8 =	vld [tilespmem:s23+$0x10240]  }
0xd5: {  	v12 =	vmul.f32 v12, v6;
	v6 =	vld [tilespmem:s23+$0x10250]  }
0xd6: {  	s5 =	sadd.s32 $0x200, s5;
	v11 =	vmul.f32 v11, v7;
	v7 =	vld [tilespmem:s23+$0x10260]  }
0xd7: {  	[tilespmem:s23+$0x10200] =	vst v12;
	v5 =	vmul.f32 v5, v10;
	v10 =	vld [tilespmem:s23+$0x10270]  }
0xd8: {  	[tilespmem:s23+$0x10210] =	vst v11;
	v4 =	vmul.f32 v4, v9  }
0xd9: {  	[tilespmem:s23+$0x10220] =	vst v5;
	v3 =	vmul.f32 v3, v8  }
0xda: {  	[tilespmem:s23+$0x10230] =	vst v4;
	v2 =	vmul.f32 v2, v6  }
0xdb: {  	[tilespmem:s23+$0x10240] =	vst v3;
	v1 =	vmul.f32 v1, v7  }
0xdc: {  	[tilespmem:s23+$0x10250] =	vst v2;
	v0 =	vmul.f32 v0, v10  }
0xdd: {  	[tilespmem:s23+$0x10260] =	vst v1  }
0xde: {  	s5 =	simm.s32 $0x0;
	s25 =	simm.s32 $0x10200;
	[tilespmem:s23+$0x10270] =	vst v0;
	s23 =	rddreg [dreg:$0x14]  }
0xdf: {  	[hbm4b:s23+s5] =	stream.linear.scatter [tilespmem:s25], [sflag:$0x16], $0x2000, $0x38;
	[tilespmem:$0x18200] =	vst v63  }
0xe0: {  	s25 =	simm.s32 $0x5  }
0xe1: {  	_ =	swait.ge [sflag:s25], $0x2000  }
0xe2: {  	[sflag:s25] =	ssyncset.done $0x0  }
0xe3: {  	s23 =	rddreg [dreg:$0x15];
	[sflag:s25] =	ssyncadd.s32 $0xFFFFE000;
	s25 =	simm.s32 $0x6200  }
0xe4: {  	[hbm4b:s23+s5] =	stream.linear.scatter [tilespmem:s25], [sflag:$0x11], $0x2000, $0x38;
	[tilespmem:$0x18200] =	vst v63  }
0xe5: {  	s25 =	simm.s32 $0xB  }
0xe6: {  	_ =	swait.ge [sflag:s25], $0x2000  }
0xe7: {  	[sflag:s25] =	ssyncset.done $0x0  }
0xe8: {  	s23 =	simm.s32 $0x0;
	[sflag:s25] =	ssyncadd.s32 $0xFFFFE000  }
0xe9: {  	v7 =	vld [tilespmem:s23+$0x6200]  }
0xea: {  	v11 =	vld [tilespmem:s23+$0x6210]  }
0xeb: {  	v5 =	vld [tilespmem:s23+$0x6220]  }
0xec: {  	v4 =	vld [tilespmem:s23+$0x6230]  }
0xed: {  	v3 =	vld [tilespmem:s23+$0x6240]  }
0xee: {  	v2 =	vld [tilespmem:s23+$0x6250]  }
0xef: {  	v1 =	vld [tilespmem:s23+$0x6260]  }
0xf0: {  	v0 =	vld [tilespmem:s23+$0x6270]  }
0xf1: {  	v12 =	vld [tilespmem:s23+$0x12200]  }
0xf2: {  	v13 =	vld [tilespmem:s23+$0x12210]  }
0xf3: {  	v10 =	vld [tilespmem:s23+$0x12220]  }
0xf4: {  	v9 =	vld [tilespmem:s23+$0x12230]  }
0xf5: {  	v8 =	vld [tilespmem:s23+$0x12240]  }
0xf6: {  	v6 =	vld [tilespmem:s23+$0x12250];
	v12 =	vmul.f32 v7, v12  }
0xf7: {  	s5 =	simm.s32 $0x200;
	v11 =	vmul.f32 v11, v13;
	v7 =	vld [tilespmem:s23+$0x12260]  }
.LBB2_8:
0xf8: {  	s25 =	sshra.s32 s5, $0x2;
	p0 =	sne.s32 s5, $0x7E00;
	[tilespmem:s23+$0x12200] =	vst v12;
	v5 =	vmul.f32 v5, v10;
	v10 =	vld [tilespmem:s23+$0x12270]  }
0xf9: {  	v12 =	vld [tilespmem:s25+$0x6200];
	[tilespmem:s23+$0x12210] =	vst v11;
	v4 =	vmul.f32 v4, v9  }
0xfa: {  	v11 =	vld [tilespmem:s25+$0x6210];
	[tilespmem:s23+$0x12220] =	vst v5;
	v3 =	vmul.f32 v3, v8  }
0xfb: {  	v5 =	vld [tilespmem:s25+$0x6220];
	[tilespmem:s23+$0x12230] =	vst v4;
	v2 =	vmul.f32 v2, v6  }
0xfc: {  	v4 =	vld [tilespmem:s25+$0x6230];
	[tilespmem:s23+$0x12240] =	vst v3;
	v1 =	vmul.f32 v1, v7  }
0xfd: {  	v3 =	vld [tilespmem:s25+$0x6240];
	[tilespmem:s23+$0x12250] =	vst v2;
	v0 =	vmul.f32 v0, v10  }
0xfe: {  	v2 =	vld [tilespmem:s25+$0x6250];
	[tilespmem:s23+$0x12260] =	vst v1  }
0xff: {  	v1 =	vld [tilespmem:s25+$0x6260];
	[tilespmem:s23+$0x12270] =	vst v0;
	s23 =	smov.u32 s25  }
0x100: {  	v0 =	vld [tilespmem:s23+$0x6270]  }
0x101: {  	v6 =	vld [tilespmem:s23+$0x12200]  }
0x102: {  	v7 =	vld [tilespmem:s23+$0x12210]  }
.Ltmp3:
0x103: {  	v10 =	vld [tilespmem:s23+$0x12220];
	(pc) =	sbr.rel @p0 .LBB2_8-.Ltmp3, $4  }
0x104: {  	v9 =	vld [tilespmem:s23+$0x12230]  }
0x105: {  	v8 =	vld [tilespmem:s23+$0x12240]  }
0x106: {  	v12 =	vmul.f32 v12, v6;
	v6 =	vld [tilespmem:s23+$0x12250]  }
0x107: {  	s5 =	sadd.s32 $0x200, s5;
	v11 =	vmul.f32 v11, v7;
	v7 =	vld [tilespmem:s23+$0x12260]  }
0x108: {  	[tilespmem:s23+$0x12200] =	vst v12;
	v5 =	vmul.f32 v5, v10;
	v10 =	vld [tilespmem:s23+$0x12270]  }
0x109: {  	[tilespmem:s23+$0x12210] =	vst v11;
	v4 =	vmul.f32 v4, v9  }
0x10a: {  	[tilespmem:s23+$0x12220] =	vst v5;
	v3 =	vmul.f32 v3, v8  }
0x10b: {  	[tilespmem:s23+$0x12230] =	vst v4;
	v2 =	vmul.f32 v2, v6  }
0x10c: {  	[tilespmem:s23+$0x12240] =	vst v3;
	v1 =	vmul.f32 v1, v7  }
0x10d: {  	[tilespmem:s23+$0x12250] =	vst v2;
	v0 =	vmul.f32 v0, v10  }
0x10e: {  	[tilespmem:s23+$0x12260] =	vst v1  }
0x10f: {  	s5 =	simm.s32 $0x0;
	s25 =	simm.s32 $0x12200;
	[tilespmem:s23+$0x12270] =	vst v0;
	s23 =	rddreg [dreg:$0x16]  }
0x110: {  	[hbm4b:s23+s5] =	stream.linear.scatter [tilespmem:s25], [sflag:$0x17], $0x2000, $0x38;
	[tilespmem:$0x18200] =	vst v63  }
0x111: {  	_ =	swait.ge [sflag:s6], $0x2000  }
0x112: {  	[sflag:s6] =	ssyncset.done $0x0  }
0x113: {  	s25 =	simm.s32 $0x8200;
	s23 =	rddreg [dreg:$0x17];
	[sflag:s6] =	ssyncadd.s32 $0xFFFFE000  }
0x114: {  	[hbm4b:s23+s5] =	stream.linear.scatter [tilespmem:s25], [sflag:$0x12], $0x2000, $0x38;
	[tilespmem:$0x18200] =	vst v63  }
0x115: {  	_ =	swait.ge [sflag:s26], $0x2000  }
0x116: {  	[sflag:s26] =	ssyncset.done $0x0  }
0x117: {  	s23 =	simm.s32 $0x0;
	[sflag:s26] =	ssyncadd.s32 $0xFFFFE000  }
0x118: {  	v7 =	vld [tilespmem:s23+$0x8200]  }
0x119: {  	v11 =	vld [tilespmem:s23+$0x8210]  }
0x11a: {  	v5 =	vld [tilespmem:s23+$0x8220]  }
0x11b: {  	v4 =	vld [tilespmem:s23+$0x8230]  }
0x11c: {  	v3 =	vld [tilespmem:s23+$0x8240]  }
0x11d: {  	v2 =	vld [tilespmem:s23+$0x8250]  }
0x11e: {  	v1 =	vld [tilespmem:s23+$0x8260]  }
0x11f: {  	v0 =	vld [tilespmem:s23+$0x8270]  }
0x120: {  	v12 =	vld [tilespmem:s23+$0x14200]  }
0x121: {  	v13 =	vld [tilespmem:s23+$0x14210]  }
0x122: {  	v10 =	vld [tilespmem:s23+$0x14220]  }
0x123: {  	v9 =	vld [tilespmem:s23+$0x14230]  }
0x124: {  	v8 =	vld [tilespmem:s23+$0x14240]  }
0x125: {  	v6 =	vld [tilespmem:s23+$0x14250];
	v12 =	vmul.f32 v7, v12  }
0x126: {  	s5 =	simm.s32 $0x200;
	v11 =	vmul.f32 v11, v13;
	v7 =	vld [tilespmem:s23+$0x14260]  }
.LBB2_10:
0x127: {  	s25 =	sshra.s32 s5, $0x2;
	p0 =	sne.s32 s5, $0x7E00;
	[tilespmem:s23+$0x14200] =	vst v12;
	v5 =	vmul.f32 v5, v10;
	v10 =	vld [tilespmem:s23+$0x14270]  }
0x128: {  	v12 =	vld [tilespmem:s25+$0x8200];
	[tilespmem:s23+$0x14210] =	vst v11;
	v4 =	vmul.f32 v4, v9  }
0x129: {  	v11 =	vld [tilespmem:s25+$0x8210];
	[tilespmem:s23+$0x14220] =	vst v5;
	v3 =	vmul.f32 v3, v8  }
0x12a: {  	v5 =	vld [tilespmem:s25+$0x8220];
	[tilespmem:s23+$0x14230] =	vst v4;
	v2 =	vmul.f32 v2, v6  }
0x12b: {  	v4 =	vld [tilespmem:s25+$0x8230];
	[tilespmem:s23+$0x14240] =	vst v3;
	v1 =	vmul.f32 v1, v7  }
0x12c: {  	v3 =	vld [tilespmem:s25+$0x8240];
	[tilespmem:s23+$0x14250] =	vst v2;
	v0 =	vmul.f32 v0, v10  }
0x12d: {  	v2 =	vld [tilespmem:s25+$0x8250];
	[tilespmem:s23+$0x14260] =	vst v1  }
0x12e: {  	v1 =	vld [tilespmem:s25+$0x8260];
	[tilespmem:s23+$0x14270] =	vst v0;
	s23 =	smov.u32 s25  }
0x12f: {  	v0 =	vld [tilespmem:s23+$0x8270]  }
0x130: {  	v6 =	vld [tilespmem:s23+$0x14200]  }
0x131: {  	v7 =	vld [tilespmem:s23+$0x14210]  }
.Ltmp4:
0x132: {  	v10 =	vld [tilespmem:s23+$0x14220];
	(pc) =	sbr.rel @p0 .LBB2_10-.Ltmp4, $4  }
0x133: {  	v9 =	vld [tilespmem:s23+$0x14230]  }
0x134: {  	v8 =	vld [tilespmem:s23+$0x14240]  }
0x135: {  	v12 =	vmul.f32 v12, v6;
	v6 =	vld [tilespmem:s23+$0x14250]  }
0x136: {  	s5 =	sadd.s32 $0x200, s5;
	v11 =	vmul.f32 v11, v7;
	v7 =	vld [tilespmem:s23+$0x14260]  }
0x137: {  	[tilespmem:s23+$0x14200] =	vst v12;
	v5 =	vmul.f32 v5, v10;
	v10 =	vld [tilespmem:s23+$0x14270]  }
0x138: {  	[tilespmem:s23+$0x14210] =	vst v11;
	v4 =	vmul.f32 v4, v9  }
0x139: {  	[tilespmem:s23+$0x14220] =	vst v5;
	v3 =	vmul.f32 v3, v8  }
0x13a: {  	[tilespmem:s23+$0x14230] =	vst v4;
	v2 =	vmul.f32 v2, v6  }
0x13b: {  	[tilespmem:s23+$0x14240] =	vst v3;
	v1 =	vmul.f32 v1, v7  }
0x13c: {  	[tilespmem:s23+$0x14250] =	vst v2;
	v0 =	vmul.f32 v0, v10  }
0x13d: {  	[tilespmem:s23+$0x14260] =	vst v1  }
0x13e: {  	s5 =	simm.s32 $0x0;
	s25 =	simm.s32 $0x14200;
	[tilespmem:s23+$0x14270] =	vst v0;
	s23 =	rddreg [dreg:$0x18]  }
0x13f: {  	[hbm4b:s23+s5] =	stream.linear.scatter [tilespmem:s25], [sflag:$0x18], $0x2000, $0x38;
	[tilespmem:$0x18200] =	vst v63  }
0x140: {  	_ =	swait.ge [sflag:s28], $0x2000  }
0x141: {  	[sflag:s28] =	ssyncset.done $0x0  }
0x142: {  	s25 =	simm.s32 $0xA200;
	s23 =	rddreg [dreg:$0x19];
	[sflag:s28] =	ssyncadd.s32 $0xFFFFE000  }
0x143: {  	[hbm4b:s23+s5] =	stream.linear.scatter [tilespmem:s25], [sflag:$0x13], $0x2000, $0x38;
	[tilespmem:$0x18200] =	vst v63  }
0x144: {  	_ =	swait.ge [sflag:s7], $0x2000  }
0x145: {  	[sflag:s7] =	ssyncset.done $0x0  }
0x146: {  	s23 =	simm.s32 $0x0;
	[sflag:s7] =	ssyncadd.s32 $0xFFFFE000  }
0x147: {  	v7 =	vld [tilespmem:s23+$0xA200]  }
0x148: {  	v11 =	vld [tilespmem:s23+$0xA210]  }
0x149: {  	v5 =	vld [tilespmem:s23+$0xA220]  }
0x14a: {  	v4 =	vld [tilespmem:s23+$0xA230]  }
0x14b: {  	v3 =	vld [tilespmem:s23+$0xA240]  }
0x14c: {  	v2 =	vld [tilespmem:s23+$0xA250]  }
0x14d: {  	v1 =	vld [tilespmem:s23+$0xA260]  }
0x14e: {  	v0 =	vld [tilespmem:s23+$0xA270]  }
0x14f: {  	v12 =	vld [tilespmem:s23+$0x16200]  }
0x150: {  	v13 =	vld [tilespmem:s23+$0x16210]  }
0x151: {  	v10 =	vld [tilespmem:s23+$0x16220]  }
0x152: {  	v9 =	vld [tilespmem:s23+$0x16230]  }
0x153: {  	v8 =	vld [tilespmem:s23+$0x16240]  }
0x154: {  	v6 =	vld [tilespmem:s23+$0x16250];
	v12 =	vmul.f32 v7, v12  }
0x155: {  	s5 =	simm.s32 $0x200;
	v11 =	vmul.f32 v11, v13;
	v7 =	vld [tilespmem:s23+$0x16260]  }
.LBB2_12:
0x156: {  	s25 =	sshra.s32 s5, $0x2;
	p0 =	sne.s32 s5, $0x7E00;
	[tilespmem:s23+$0x16200] =	vst v12;
	v5 =	vmul.f32 v5, v10;
	v10 =	vld [tilespmem:s23+$0x16270]  }
0x157: {  	v12 =	vld [tilespmem:s25+$0xA200];
	[tilespmem:s23+$0x16210] =	vst v11;
	v4 =	vmul.f32 v4, v9  }
0x158: {  	v11 =	vld [tilespmem:s25+$0xA210];
	[tilespmem:s23+$0x16220] =	vst v5;
	v3 =	vmul.f32 v3, v8  }
0x159: {  	v5 =	vld [tilespmem:s25+$0xA220];
	[tilespmem:s23+$0x16230] =	vst v4;
	v2 =	vmul.f32 v2, v6  }
0x15a: {  	v4 =	vld [tilespmem:s25+$0xA230];
	[tilespmem:s23+$0x16240] =	vst v3;
	v1 =	vmul.f32 v1, v7  }
0x15b: {  	v3 =	vld [tilespmem:s25+$0xA240];
	[tilespmem:s23+$0x16250] =	vst v2;
	v0 =	vmul.f32 v0, v10  }
0x15c: {  	v2 =	vld [tilespmem:s25+$0xA250];
	[tilespmem:s23+$0x16260] =	vst v1  }
0x15d: {  	v1 =	vld [tilespmem:s25+$0xA260];
	[tilespmem:s23+$0x16270] =	vst v0;
	s23 =	smov.u32 s25  }
0x15e: {  	v0 =	vld [tilespmem:s23+$0xA270]  }
0x15f: {  	v6 =	vld [tilespmem:s23+$0x16200]  }
0x160: {  	v7 =	vld [tilespmem:s23+$0x16210]  }
.Ltmp5:
0x161: {  	v10 =	vld [tilespmem:s23+$0x16220];
	(pc) =	sbr.rel @p0 .LBB2_12-.Ltmp5, $4  }
0x162: {  	v9 =	vld [tilespmem:s23+$0x16230]  }
0x163: {  	v8 =	vld [tilespmem:s23+$0x16240]  }
0x164: {  	v12 =	vmul.f32 v12, v6;
	v6 =	vld [tilespmem:s23+$0x16250]  }
0x165: {  	s5 =	sadd.s32 $0x200, s5;
	v11 =	vmul.f32 v11, v7;
	v7 =	vld [tilespmem:s23+$0x16260]  }
0x166: {  	[tilespmem:s23+$0x16200] =	vst v12;
	v5 =	vmul.f32 v5, v10;
	v10 =	vld [tilespmem:s23+$0x16270]  }
0x167: {  	[tilespmem:s23+$0x16210] =	vst v11;
	v4 =	vmul.f32 v4, v9  }
0x168: {  	[tilespmem:s23+$0x16220] =	vst v5;
	v3 =	vmul.f32 v3, v8  }
0x169: {  	[tilespmem:s23+$0x16230] =	vst v4;
	v2 =	vmul.f32 v2, v6  }
0x16a: {  	[tilespmem:s23+$0x16240] =	vst v3;
	v1 =	vmul.f32 v1, v7  }
0x16b: {  	[tilespmem:s23+$0x16250] =	vst v2;
	v0 =	vmul.f32 v0, v10  }
0x16c: {  	[tilespmem:s23+$0x16260] =	vst v1  }
0x16d: {  	s5 =	simm.s32 $0x0;
	s25 =	simm.s32 $0x16200;
	[tilespmem:s23+$0x16270] =	vst v0;
	s23 =	rddreg [dreg:$0x1a]  }
0x16e: {  	[hbm4b:s23+s5] =	stream.linear.scatter [tilespmem:s25], [sflag:$0x19], $0x2000, $0x38;
	[tilespmem:$0x18200] =	vst v63  }
0x16f: {  	_ =	swait.ge [sflag:s13], $0x2000  }
0x170: {  	[sflag:s13] =	ssyncset.done $0x0  }
0x171: {  	s25 =	rddreg [dreg:$0x1b];
	[sflag:s13] =	ssyncadd.s32 $0xFFFFE000  }
0x172: {  	[hbm4b:s25+s5] =	stream.linear.scatter [tilespmem:s0], [sflag:$0xE], $0x2000, $0x38;
	[tilespmem:$0x18200] =	vst v63  }
0x173: {  	_ =	swait.ge [sflag:s14], $0x2000  }
0x174: {  	[sflag:s14] =	ssyncset.done $0x0  }
0x175: {  	s23 =	simm.s32 $0x0;
	[sflag:s14] =	ssyncadd.s32 $0xFFFFE000  }
0x176: {  	v7 =	vld [tilespmem:s23+$0x200]  }
0x177: {  	v11 =	vld [tilespmem:s23+$0x210]  }
0x178: {  	v5 =	vld [tilespmem:s23+$0x220]  }
0x179: {  	v4 =	vld [tilespmem:s23+$0x230]  }
0x17a: {  	v3 =	vld [tilespmem:s23+$0x240]  }
0x17b: {  	v2 =	vld [tilespmem:s23+$0x250]  }
0x17c: {  	v1 =	vld [tilespmem:s23+$0x260]  }
0x17d: {  	v0 =	vld [tilespmem:s23+$0x270]  }
0x17e: {  	v12 =	vld [tilespmem:s23+$0xC200]  }
0x17f: {  	v13 =	vld [tilespmem:s23+$0xC210]  }
0x180: {  	v10 =	vld [tilespmem:s23+$0xC220]  }
0x181: {  	v9 =	vld [tilespmem:s23+$0xC230]  }
0x182: {  	v8 =	vld [tilespmem:s23+$0xC240]  }
0x183: {  	v6 =	vld [tilespmem:s23+$0xC250];
	v12 =	vmul.f32 v7, v12  }
0x184: {  	s5 =	simm.s32 $0x200;
	v11 =	vmul.f32 v11, v13;
	v7 =	vld [tilespmem:s23+$0xC260]  }
.LBB2_14:
0x185: {  	s25 =	sshra.s32 s5, $0x2;
	p0 =	sne.s32 s5, $0x7E00;
	[tilespmem:s23+$0xC200] =	vst v12;
	v5 =	vmul.f32 v5, v10;
	v10 =	vld [tilespmem:s23+$0xC270]  }
0x186: {  	v12 =	vld [tilespmem:s25+$0x200];
	[tilespmem:s23+$0xC210] =	vst v11;
	v4 =	vmul.f32 v4, v9  }
0x187: {  	v11 =	vld [tilespmem:s25+$0x210];
	[tilespmem:s23+$0xC220] =	vst v5;
	v3 =	vmul.f32 v3, v8  }
0x188: {  	v5 =	vld [tilespmem:s25+$0x220];
	[tilespmem:s23+$0xC230] =	vst v4;
	v2 =	vmul.f32 v2, v6  }
0x189: {  	v4 =	vld [tilespmem:s25+$0x230];
	[tilespmem:s23+$0xC240] =	vst v3;
	v1 =	vmul.f32 v1, v7  }
0x18a: {  	v3 =	vld [tilespmem:s25+$0x240];
	[tilespmem:s23+$0xC250] =	vst v2;
	v0 =	vmul.f32 v0, v10  }
0x18b: {  	v2 =	vld [tilespmem:s25+$0x250];
	[tilespmem:s23+$0xC260] =	vst v1  }
0x18c: {  	v1 =	vld [tilespmem:s25+$0x260];
	[tilespmem:s23+$0xC270] =	vst v0;
	s23 =	smov.u32 s25  }
0x18d: {  	v0 =	vld [tilespmem:s23+$0x270]  }
0x18e: {  	v6 =	vld [tilespmem:s23+$0xC200]  }
0x18f: {  	v7 =	vld [tilespmem:s23+$0xC210]  }
.Ltmp6:
0x190: {  	v10 =	vld [tilespmem:s23+$0xC220];
	(pc) =	sbr.rel @p0 .LBB2_14-.Ltmp6, $4  }
0x191: {  	v9 =	vld [tilespmem:s23+$0xC230]  }
0x192: {  	v8 =	vld [tilespmem:s23+$0xC240]  }
0x193: {  	v12 =	vmul.f32 v12, v6;
	v6 =	vld [tilespmem:s23+$0xC250]  }
0x194: {  	s5 =	sadd.s32 $0x200, s5;
	v11 =	vmul.f32 v11, v7;
	v7 =	vld [tilespmem:s23+$0xC260]  }
0x195: {  	[tilespmem:s23+$0xC200] =	vst v12;
	v5 =	vmul.f32 v5, v10;
	v10 =	vld [tilespmem:s23+$0xC270]  }
0x196: {  	[tilespmem:s23+$0xC210] =	vst v11;
	v4 =	vmul.f32 v4, v9  }
0x197: {  	[tilespmem:s23+$0xC220] =	vst v5;
	v3 =	vmul.f32 v3, v8  }
0x198: {  	[tilespmem:s23+$0xC230] =	vst v4;
	v2 =	vmul.f32 v2, v6  }
0x199: {  	[tilespmem:s23+$0xC240] =	vst v3;
	v1 =	vmul.f32 v1, v7  }
0x19a: {  	[tilespmem:s23+$0xC250] =	vst v2;
	v0 =	vmul.f32 v0, v10  }
0x19b: {  	[tilespmem:s23+$0xC260] =	vst v1  }
0x19c: {  	s5 =	simm.s32 $0x0;
	s25 =	rddreg [dreg:$0x1c];
	[tilespmem:s23+$0xC270] =	vst v0  }
0x19d: {  	[hbm4b:s25+s5] =	stream.linear.scatter [tilespmem:s2], [sflag:$0x14], $0x2000, $0x38;
	[tilespmem:$0x18200] =	vst v63  }
0x19e: {  	_ =	swait.ge [sflag:s17], $0x2000  }
0x19f: {  	[sflag:s17] =	ssyncset.done $0x0  }
0x1a0: {  	s25 =	rddreg [dreg:$0x1d];
	[sflag:s17] =	ssyncadd.s32 $0xFFFFE000  }
0x1a1: {  	[hbm4b:s25+s5] =	stream.linear.scatter [tilespmem:s3], [sflag:$0xF], $0x2000, $0x38;
	[tilespmem:$0x18200] =	vst v63  }
0x1a2: {  	_ =	swait.ge [sflag:s18], $0x2000  }
0x1a3: {  	[sflag:s18] =	ssyncset.done $0x0  }
0x1a4: {  	s23 =	simm.s32 $0x0;
	[sflag:s18] =	ssyncadd.s32 $0xFFFFE000  }
0x1a5: {  	v7 =	vld [tilespmem:s23+$0x2200]  }
0x1a6: {  	v11 =	vld [tilespmem:s23+$0x2210]  }
0x1a7: {  	v5 =	vld [tilespmem:s23+$0x2220]  }
0x1a8: {  	v4 =	vld [tilespmem:s23+$0x2230]  }
0x1a9: {  	v3 =	vld [tilespmem:s23+$0x2240]  }
0x1aa: {  	v2 =	vld [tilespmem:s23+$0x2250]  }
0x1ab: {  	v1 =	vld [tilespmem:s23+$0x2260]  }
0x1ac: {  	v0 =	vld [tilespmem:s23+$0x2270]  }
0x1ad: {  	v12 =	vld [tilespmem:s23+$0xE200]  }
0x1ae: {  	v13 =	vld [tilespmem:s23+$0xE210]  }
0x1af: {  	v10 =	vld [tilespmem:s23+$0xE220]  }
0x1b0: {  	v9 =	vld [tilespmem:s23+$0xE230]  }
0x1b1: {  	v8 =	vld [tilespmem:s23+$0xE240]  }
0x1b2: {  	v6 =	vld [tilespmem:s23+$0xE250];
	v12 =	vmul.f32 v7, v12  }
0x1b3: {  	s5 =	simm.s32 $0x200;
	v11 =	vmul.f32 v11, v13;
	v7 =	vld [tilespmem:s23+$0xE260]  }
.LBB2_16:
0x1b4: {  	s25 =	sshra.s32 s5, $0x2;
	p0 =	sne.s32 s5, $0x7E00;
	[tilespmem:s23+$0xE200] =	vst v12;
	v5 =	vmul.f32 v5, v10;
	v10 =	vld [tilespmem:s23+$0xE270]  }
0x1b5: {  	v12 =	vld [tilespmem:s25+$0x2200];
	[tilespmem:s23+$0xE210] =	vst v11;
	v4 =	vmul.f32 v4, v9  }
0x1b6: {  	v11 =	vld [tilespmem:s25+$0x2210];
	[tilespmem:s23+$0xE220] =	vst v5;
	v3 =	vmul.f32 v3, v8  }
0x1b7: {  	v5 =	vld [tilespmem:s25+$0x2220];
	[tilespmem:s23+$0xE230] =	vst v4;
	v2 =	vmul.f32 v2, v6  }
0x1b8: {  	v4 =	vld [tilespmem:s25+$0x2230];
	[tilespmem:s23+$0xE240] =	vst v3;
	v1 =	vmul.f32 v1, v7  }
0x1b9: {  	v3 =	vld [tilespmem:s25+$0x2240];
	[tilespmem:s23+$0xE250] =	vst v2;
	v0 =	vmul.f32 v0, v10  }
0x1ba: {  	v2 =	vld [tilespmem:s25+$0x2250];
	[tilespmem:s23+$0xE260] =	vst v1  }
0x1bb: {  	v1 =	vld [tilespmem:s25+$0x2260];
	[tilespmem:s23+$0xE270] =	vst v0;
	s23 =	smov.u32 s25  }
0x1bc: {  	v0 =	vld [tilespmem:s23+$0x2270]  }
0x1bd: {  	v6 =	vld [tilespmem:s23+$0xE200]  }
0x1be: {  	v7 =	vld [tilespmem:s23+$0xE210]  }
.Ltmp7:
0x1bf: {  	v10 =	vld [tilespmem:s23+$0xE220];
	(pc) =	sbr.rel @p0 .LBB2_16-.Ltmp7, $4  }
0x1c0: {  	v9 =	vld [tilespmem:s23+$0xE230]  }
0x1c1: {  	v8 =	vld [tilespmem:s23+$0xE240]  }
0x1c2: {  	v12 =	vmul.f32 v12, v6;
	v6 =	vld [tilespmem:s23+$0xE250]  }
0x1c3: {  	s5 =	sadd.s32 $0x200, s5;
	v11 =	vmul.f32 v11, v7;
	v7 =	vld [tilespmem:s23+$0xE260]  }
0x1c4: {  	[tilespmem:s23+$0xE200] =	vst v12;
	v5 =	vmul.f32 v5, v10;
	v63 =	vld [tilespmem:s23+$0xE270]  }
0x1c5: {  	[tilespmem:s23+$0xE210] =	vst v11;
	v4 =	vmul.f32 v4, v9  }
0x1c6: {  	[tilespmem:s23+$0xE220] =	vst v5;
	v3 =	vmul.f32 v3, v8  }
0x1c7: {  	[tilespmem:s23+$0xE230] =	vst v4;
	v2 =	vmul.f32 v2, v6  }
0x1c8: {  	[tilespmem:s23+$0xE240] =	vst v3;
	v1 =	vmul.f32 v1, v7  }
0x1c9: {  	[tilespmem:s23+$0xE250] =	vst v2;
	v0 =	vmul.f32 v0, v63  }
0x1ca: {  	[tilespmem:s23+$0xE260] =	vst v1  }
0x1cb: {  	s5 =	rddreg [dreg:$0x1e];
	[tilespmem:s23+$0xE270] =	vst v0  }
0x1cc: {  	[hbm4b:s5+s1] =	stream.linear.scatter [tilespmem:s4], [sflag:$0x15], $0x2000, $0x38;
	[tilespmem:$0x18200] =	vst v63  }
0x1cd: {  	_ =	swait.ge [sflag:s15], $0x2000  }
0x1ce: {  	[sflag:s15] =	ssyncset.done $0x0  }
0x1cf: {  	[sflag:s15] =	ssyncadd.s32 $0xFFFFE000  }
0x1d0: {  	_ =	swait.ge [sflag:s16], $0x2000  }
0x1d1: {  	[sflag:s16] =	ssyncset.done $0x0  }
0x1d2: {  	[sflag:s16] =	ssyncadd.s32 $0xFFFFE000  }
0x1d3: {  	_ =	swait.ge [sflag:s19], $0x2000  }
0x1d4: {  	[sflag:s19] =	ssyncset.done $0x0  }
0x1d5: {  	[sflag:s19] =	ssyncadd.s32 $0xFFFFE000  }
0x1d6: {  	_ =	swait.ge [sflag:s20], $0x2000  }
0x1d7: {  	[sflag:s20] =	ssyncset.done $0x0  }
0x1d8: {  	[sflag:s20] =	ssyncadd.s32 $0xFFFFE000  }
0x1d9: {  	_ =	swait.ge [sflag:s8], $0x2000  }
0x1da: {  	[sflag:s8] =	ssyncset.done $0x0  }
0x1db: {  	[sflag:s8] =	ssyncadd.s32 $0xFFFFE000  }
0x1dc: {  	_ =	swait.ge [sflag:s29], $0x2000  }
0x1dd: {  	[sflag:s29] =	ssyncset.done $0x0  }
0x1de: {  	[sflag:s29] =	ssyncadd.s32 $0xFFFFE000  }
0x1df: {  	_ =	swait.ge [sflag:s9], $0x2000  }
0x1e0: {  	[sflag:s9] =	ssyncset.done $0x0  }
0x1e1: {  	[sflag:s9] =	ssyncadd.s32 $0xFFFFE000  }
0x1e2: {  	_ =	swait.ge [sflag:s30], $0x2000  }
0x1e3: {  	[sflag:s30] =	ssyncset.done $0x0  }
0x1e4: {  	[sflag:s30] =	ssyncadd.s32 $0xFFFFE000  }
0x1e5: {  	_ =	swait.ge [sflag:s10], $0x2000  }
0x1e6: {  	[sflag:s10] =	ssyncset.done $0x0  }
0x1e7: {  	[sflag:s10] =	ssyncadd.s32 $0xFFFFE000  }
0x1e8: {  	_ =	swait.ge [sflag:s11], $0x2000  }
0x1e9: {  	[sflag:s11] =	ssyncset.done $0x0  }
0x1ea: {  	[sflag:s11] =	ssyncadd.s32 $0xFFFFE000  }
0x1eb: {  	_ =	swait.ge [sflag:s12], $0x2000  }
0x1ec: {  	[sflag:s12] =	ssyncset.done $0x0  }
0x1ed: {  	[sflag:s12] =	ssyncadd.s32 $0xFFFFE000  }
0x1ee: {  	_ =	swait.ge [sflag:s31], $0x2000  }
0x1ef: {  	s22 =	sadd.s32 $0x1, s22;
	s25 =	rddreg [dreg:$0x1f]  }
0x1f0: {  	p0 =	sne.s32 s22, s25  }
.Ltmp8:
0x1f1: {  	_ = 	snop;
	(pc) =	sbr.rel @p0 .LBB2_1-.Ltmp8, $3  }
0x1f2: {  	_ =	sdelay $0x1  }
0x1f3: {  	[sflag:s31] =	ssyncset.done $0x0  }
0x1f4: {  	[sflag:s31] =	ssyncadd.s32 $0xFFFFE000  }
0x1f5: {  	_ =	sfence.sel $0x180000  }
0x1f6: {  	[bflag:$0x0] =	sbarrier.arrive $0xFFFF  }
0x1f7: {  	_ =	strace $0x90000047  }
0x1f8: {  	s0 =	stileid.u32;
	[bflag:$0x2] =	sbarrier.arrive $0xFFFF  }
0x1f9: {  	p0 =	sne.s32 s0, $0x0;
	s0 =	rddreg [dreg:$0x5]  }
0x1fa: {  	s0 =	sadd.s32 @!p0 $0x100000, s0  }
0x1fb: {  	[sflag:s0] =	ssyncadd.tile.s32 @!p0 $0x1;
	_ =	shalt  }
.Lfunc_end2:
_tile_overlayer_lowered:
.L_overlay_start_2:
0x1fc: {  	(tag) =	ssettag $0x2  }
0x1fd: {  	s0 =	rddreg [dreg:$0x0];
	s2 =	stileid.u32  }
0x1fe: {  	s1 =	rddreg [dreg:$0x1];
	p0 =	sne.s32 s2, $0x0  }
0x1ff: {  	s3 =	rddreg [dreg:$0x2];
	[bflag:$0x3] =	sbarrier.arrive $0xFFFF;
	s2 =	simm.s32 @!p0 $0x1C1A  }
0x200: {  	[timem:s3], [sflag:s2] =	dma.local @!p0 [hbm:s0], s1  }
0x201: {  	s0 =	simm.s32 @!p0 $0x1A  }
0x202: {  	_ =	swait.ge @!p0 [sflag:s0], s1  }
0x203: {  	s1 =	ssub.s32 @!p0 $0x0, s1;
	[sflag:s0] =	ssyncset.done @!p0 $0x0  }
0x204: {  	[sflag:s0] =	ssyncadd.s32 @!p0 s1  }
0x205: {  	[bflag:$0x3] =	sbarrier.arrive $0xFFFF  }
0x206: {  	_ =	shalt  }

</sc_bundles>
